<compile_context>
chip_gen: v7x
topology: tpu7x:2x2x1
jax: 0.10.2.dev20260603
libtpu: 0.0.44.dev20260713+nightly
codegen_flags: <defaults>
</compile_context>

<pallas_src>
import jax
import jax.numpy as jnp
from jax import lax
from jax.experimental import pallas as pl
from jax.experimental.pallas import tpu as pltpu
from jax.experimental.pallas import tpu_sc as plsc

_N = 2000
_NW = 16
_RPW = 128
_GPW = _RPW // 16

_EDGE_PAIRS = ((0, 3), (1, 0), (2, 1), (3, 2))


def _sqrt_f32(x):
    xi = plsc.bitcast(x, jnp.int32)
    y = plsc.bitcast(jnp.int32(0x5F3759DF) - (xi >> 1), jnp.float32)
    for _ in range(3):
        y = y * (1.5 - 0.5 * (x * y) * y)
    return x * y


def _body(pts_hbm, bbox_hbm, w_hbm, out_hbm,
          pts_v, bbox_v, w_v, acc_v, shared, red_v, out_v,
          sem_p, sem_b, sem_w):
    wid = lax.axis_index("s")
    f32 = jnp.float32

    base = wid * _RPW
    arow = jnp.minimum(base, _N - _RPW)
    drows = base - arow
    nvalid = jnp.minimum(_RPW, _N - base)

    cp_p = pltpu.async_copy(pts_hbm.at[pl.ds(arow * 18, _RPW * 18)], pts_v, sem_p)
    cp_b = pltpu.async_copy(bbox_hbm.at[pl.ds(arow * 8, _RPW * 8)], bbox_v, sem_b)
    cp_w = pltpu.async_copy(w_hbm.at[pl.ds(arow, _RPW)], w_v, sem_w)
    cp_p.wait()
    cp_b.wait()
    cp_w.wait()

    lane = lax.iota(jnp.int32, 16)
    zero16 = jnp.zeros((16,), f32)

    @plsc.parallel_loop(0, _GPW, unroll=2, carry=(zero16, zero16, zero16))
    def group(i, carry):
        sum_d, cnt, wcnt = carry
        local_row = i * 16 + lane
        valid = (local_row < nvalid).astype(f32)
        buf_row = drows + jnp.minimum(local_row, nvalid - 1)

        b_base = buf_row * 8
        xs = [plsc.load_gather(bbox_v, [b_base + 2 * v]) for v in range(4)]
        ys = [plsc.load_gather(bbox_v, [b_base + 2 * v + 1]) for v in range(4)]
        cx = (xs[0] + xs[2]) * 0.5
        cy = (ys[0] + ys[2]) * 0.5

        edge_c = []
        for vi, vj in _EDGE_PAIRS:
            dy = ys[vj] - ys[vi]
            safe_dy = jnp.where(dy == 0.0, f32(1.0), dy)
            edge_c.append((xs[vi], ys[vi], xs[vj] - xs[vi], safe_dy))

        p_base = buf_row * 18
        for k in range(9):
            px = plsc.load_gather(pts_v, [p_base + 2 * k])
            py = plsc.load_gather(pts_v, [p_base + 2 * k + 1])

            inside = None
            for e, (vi, vj) in enumerate(_EDGE_PAIRS):
                xi, yi, dxji, safe_dy = edge_c[e]
                yj = ys[vj]
                cond1 = (yi > py) != (yj > py)
                x_cross = dxji * (py - yi) / safe_dy + xi
                crossing = cond1 & (px < x_cross)
                inside = crossing if inside is None else (inside ^ crossing)

            outside = jnp.where(inside, zero16, valid)
            dx = px - cx
            dyc = py - cy
            dist = 0.2 * _sqrt_f32(dx * dx + dyc * dyc)
            sum_d = sum_d + dist * outside
            cnt = cnt + outside

        wv = w_v[pl.ds(drows + i * 16, 16)]
        wcnt = wcnt + jnp.where(wv > 0.0, valid, zero16)
        return sum_d, cnt, wcnt

    sum_d, cnt, wcnt = group

    acc_v[pl.ds(0, 16)] = sum_d
    acc_v[pl.ds(16, 16)] = cnt
    acc_v[pl.ds(32, 16)] = wcnt
    pltpu.sync_copy(acc_v, shared.at[pl.ds(wid * 48, 48)])
    plsc.subcore_barrier()

    @pl.when(wid == 0)
    def _finalize():
        pltpu.sync_copy(shared, red_v)
        tot_d = zero16
        tot_c = zero16
        tot_w = zero16
        for w in range(_NW):
            tot_d = tot_d + red_v[pl.ds(w * 48, 16)]
            tot_c = tot_c + red_v[pl.ds(w * 48 + 16, 16)]
            tot_w = tot_w + red_v[pl.ds(w * 48 + 32, 16)]
        s = plsc.cumsum(tot_d)
        c = plsc.cumsum(tot_c)
        avg = plsc.cumsum(tot_w) + f32(1e-6)
        loss = jnp.where(c > 0.0, s / jnp.maximum(c, f32(1.0)), zero16) / avg
        out_v[...] = lax.rev(loss, (0,))
        pltpu.sync_copy(out_v.at[pl.ds(0, 1)], out_hbm)


@jax.jit
def _run(pts_flat, bbox_flat, w_arr):
    mesh = plsc.VectorSubcoreMesh(
        core_axis_name="c", subcore_axis_name="s", num_cores=1)
    return pl.kernel(
        _body,
        mesh=mesh,
        compiler_params=pltpu.CompilerParams(needs_layout_passes=False),
        out_type=jax.ShapeDtypeStruct((1,), jnp.float32),
        scratch_types=[
            pltpu.VMEM((_RPW * 18,), jnp.float32),
            pltpu.VMEM((_RPW * 8,), jnp.float32),
            pltpu.VMEM((_RPW,), jnp.float32),
            pltpu.VMEM((48,), jnp.float32),
            pltpu.VMEM_SHARED((_NW * 48,), jnp.float32),
            pltpu.VMEM((_NW * 48,), jnp.float32),
            pltpu.VMEM((16,), jnp.float32),
            pltpu.SemaphoreType.DMA,
            pltpu.SemaphoreType.DMA,
            pltpu.SemaphoreType.DMA,
        ],
    )(pts_flat, bbox_flat, w_arr)


def kernel(pts, gt_bboxes, weight):
    return _run(pts.reshape(-1), gt_bboxes.reshape(-1), weight)

# --- scband reference (transcript-rebuilt; emitter-appended) ---
"""Pipeline reference for scband-spatial-border-loss-14482629722222 (READ-ONLY COPY).

The authoritative reference and input builder live on the scoring server;
editing this copy changes nothing except your own understanding.
"""

import jax, jax.numpy as jnp
import numpy as np


def points_in_polygons(pts, polys):
    # pts: [P, 2], polys: [G, 8] (4 vertices x,y). Ray-casting point-in-polygon,
    # matching the pointsJf CUDA kernel (crossing-number / even-odd rule).
    xs = polys[:, 0::2]  # [G, 4]
    ys = polys[:, 1::2]  # [G, 4]
    px = pts[:, 0][:, None, None]  # [P, 1, 1]
    py = pts[:, 1][:, None, None]
    xi = xs[None, :, :]  # [1, G, 4]
    yi = ys[None, :, :]
    xj = jnp.roll(xs, 1, axis=1)[None, :, :]  # previous vertex (j = i-1 mod 4)
    yj = jnp.roll(ys, 1, axis=1)[None, :, :]
    cond1 = (yi > py) != (yj > py)
    dy = yj - yi
    safe_dy = jnp.where(dy == 0, 1.0, dy)
    x_cross = (xj - xi) * (py - yi) / safe_dy + xi
    crossing = cond1 & (px < x_cross)
    num_cross = jnp.sum(crossing.astype(jnp.int32), axis=2)  # [P, G]
    return (num_cross % 2 == 1).astype(jnp.float32)


def _spatial_border_forward(pts, gt_bboxes, weight, loss_weight=1.0):
    # weighted_spatial_border_loss
    w = jnp.repeat(weight[:, None], 4, axis=1)
    avg_factor = jnp.sum((w > 0).astype(jnp.float32)) / 4.0 + 1e-06
    # spatial_border_loss: 9 point sets, full [num_pts, num_gt] inside matrix, take diag
    flags = []
    for k in range(9):
        pt_k = pts[:, 2 * k:2 * k + 2]
        flag_full = points_in_polygons(pt_k, gt_bboxes)  # [N, N]
        flags.append(jnp.diagonal(flag_full))
    inside_flag = jax.lax.stop_gradient(jnp.stack(flags, axis=1))  # [N, 9]
    pts_r = pts.reshape(-1, 9, 2)
    mask = (inside_flag == 0).astype(pts.dtype)  # 1 where point is OUTSIDE its gt box
    cx = (gt_bboxes[:, 0] + gt_bboxes[:, 4]) / 2.0
    cy = (gt_bboxes[:, 1] + gt_bboxes[:, 5]) / 2.0
    center = jnp.stack([cx, cy], axis=1)  # [N, 2]
    dist = 0.2 * jnp.sqrt(jnp.sum((pts_r - center[:, None, :]) ** 2, axis=2))  # [N, 9]
    cnt = jnp.sum(mask)
    loss = jnp.where(cnt > 0, jnp.sum(dist * mask) / jnp.maximum(cnt, 1.0), 0.0)
    return loss_weight * loss[None] / avg_factor


def setup_inputs(seed: int = 0):
    key = jax.random.key(seed)
    k1, k2, k3 = jax.random.split(key, 3)
    N = 2000
    pts = jax.random.uniform(k1, (N, 18), dtype=jnp.float32)
    gt_bboxes = jax.random.uniform(k2, (N, 8), dtype=jnp.float32)
    weight = jax.random.uniform(k3, (N,), dtype=jnp.float32)
    return {"pts": pts, "gt_bboxes": gt_bboxes, "weight": weight}


def reference(pts, gt_bboxes, weight):
    return _spatial_border_forward(pts, gt_bboxes, weight, loss_weight=1.0)

if __name__ == "__main__":
    import jax
    _d = setup_inputs()
    print(jax.jit(kernel)(*tuple(_d.values())))

</pallas_src>

<mosaic_0001>
#map = affine_map<(d0, d1) -> (0)>
module attributes {stable_mosaic.version = 14 : i64} {
  func.func @_body(%arg0: i32, %arg1: i32, %arg2: memref<36000xf32, #tpu.memory_space<hbm>>, %arg3: memref<16000xf32, #tpu.memory_space<hbm>>, %arg4: memref<2000xf32, #tpu.memory_space<hbm>>, %arg5: memref<1xf32, #tpu.memory_space<hbm>>, %arg6: memref<2304xf32, #tpu.memory_space<vmem>>, %arg7: memref<1024xf32, #tpu.memory_space<vmem>>, %arg8: memref<128xf32, #tpu.memory_space<vmem>>, %arg9: memref<48xf32, #tpu.memory_space<vmem>>, %arg10: memref<768xf32, #tpu.memory_space<vmem_shared>>, %arg11: memref<768xf32, #tpu.memory_space<vmem>>, %arg12: memref<16xf32, #tpu.memory_space<vmem>>, %arg13: memref<!tpu.dma_semaphore, #tpu.memory_space<semaphore_mem>>, %arg14: memref<!tpu.dma_semaphore, #tpu.memory_space<semaphore_mem>>, %arg15: memref<!tpu.dma_semaphore, #tpu.memory_space<semaphore_mem>>) attributes {dimension_semantics = [#tpu.dimension_semantics<core_parallel>, #tpu.dimension_semantics<subcore_parallel>], iteration_bounds = array<i64: 1, 16>, scalar_prefetch = 0 : i64, scratch_operands = 10 : i64, tpu.core_type = #tpu.core_type<sc_vector_subcore>, window_params = [{transform_indices = #map}, {transform_indices = #map}, {transform_indices = #map}, {transform_indices = #map}]} {
    %mul3A = arith.constant 128 : i32
    %mul3A_0 = arith.muli %arg1, %mul3A : i32
    %min3A = arith.constant 1872 : i32
    %min3A_1 = arith.minsi %mul3A_0, %min3A : i32
    %sub3A = arith.subi %mul3A_0, %min3A_1 : i32
    %sub3A_2 = arith.constant 2000 : i32
    %sub3A_3 = arith.subi %sub3A_2, %mul3A_0 : i32
    %min3A_4 = arith.constant 128 : i32
    %min3A_5 = arith.minsi %min3A_4, %sub3A_3 : i32
    %mul3A_6 = arith.constant 18 : i32
    %mul3A_7 = arith.muli %min3A_1, %mul3A_6 : i32
    %dma_start3A = tpu.memref_slice %arg2[%mul3A_7] : memref<36000xf32, #tpu.memory_space<hbm>> -> memref<2304xf32, #tpu.memory_space<hbm>>
    %dma_start3A_8 = tpu.memref_slice %arg2[%mul3A_7] : memref<36000xf32, #tpu.memory_space<hbm>> -> memref<2304xf32, #tpu.memory_space<hbm>>
    tpu.enqueue_dma source(%dma_start3A_8 : memref<2304xf32, #tpu.memory_space<hbm>>) target(%arg6 : memref<2304xf32, #tpu.memory_space<vmem>>) target_semaphore(%arg13 : memref<!tpu.dma_semaphore, #tpu.memory_space<semaphore_mem>>)
    %mul3A_9 = arith.constant 8 : i32
    %mul3A_10 = arith.muli %min3A_1, %mul3A_9 : i32
    %dma_start3A_11 = tpu.memref_slice %arg3[%mul3A_10] : memref<16000xf32, #tpu.memory_space<hbm>> -> memref<1024xf32, #tpu.memory_space<hbm>>
    %dma_start3A_12 = tpu.memref_slice %arg3[%mul3A_10] : memref<16000xf32, #tpu.memory_space<hbm>> -> memref<1024xf32, #tpu.memory_space<hbm>>
    tpu.enqueue_dma source(%dma_start3A_12 : memref<1024xf32, #tpu.memory_space<hbm>>) target(%arg7 : memref<1024xf32, #tpu.memory_space<vmem>>) target_semaphore(%arg14 : memref<!tpu.dma_semaphore, #tpu.memory_space<semaphore_mem>>)
    %dma_start3A_13 = tpu.memref_slice %arg4[%min3A_1] : memref<2000xf32, #tpu.memory_space<hbm>> -> memref<128xf32, #tpu.memory_space<hbm>>
    %dma_start3A_14 = tpu.memref_slice %arg4[%min3A_1] : memref<2000xf32, #tpu.memory_space<hbm>> -> memref<128xf32, #tpu.memory_space<hbm>>
    tpu.enqueue_dma source(%dma_start3A_14 : memref<128xf32, #tpu.memory_space<hbm>>) target(%arg8 : memref<128xf32, #tpu.memory_space<vmem>>) target_semaphore(%arg15 : memref<!tpu.dma_semaphore, #tpu.memory_space<semaphore_mem>>)
    %dma_wait3A = tpu.memref_slice %arg2[%mul3A_7] : memref<36000xf32, #tpu.memory_space<hbm>> -> memref<2304xf32, #tpu.memory_space<hbm>>
    %dma_wait3A_15 = tpu.memref_slice %arg2[%mul3A_7] : memref<36000xf32, #tpu.memory_space<hbm>> -> memref<2304xf32, #tpu.memory_space<hbm>>
    tpu.wait_dma2 semaphore(%arg13 : memref<!tpu.dma_semaphore, #tpu.memory_space<semaphore_mem>>) src(%dma_wait3A_15 : memref<2304xf32, #tpu.memory_space<hbm>>) dst(%arg6 : memref<2304xf32, #tpu.memory_space<vmem>>)
    %dma_wait3A_16 = tpu.memref_slice %arg3[%mul3A_10] : memref<16000xf32, #tpu.memory_space<hbm>> -> memref<1024xf32, #tpu.memory_space<hbm>>
    %dma_wait3A_17 = tpu.memref_slice %arg3[%mul3A_10] : memref<16000xf32, #tpu.memory_space<hbm>> -> memref<1024xf32, #tpu.memory_space<hbm>>
    tpu.wait_dma2 semaphore(%arg14 : memref<!tpu.dma_semaphore, #tpu.memory_space<semaphore_mem>>) src(%dma_wait3A_17 : memref<1024xf32, #tpu.memory_space<hbm>>) dst(%arg7 : memref<1024xf32, #tpu.memory_space<vmem>>)
    %dma_wait3A_18 = tpu.memref_slice %arg4[%min3A_1] : memref<2000xf32, #tpu.memory_space<hbm>> -> memref<128xf32, #tpu.memory_space<hbm>>
    %dma_wait3A_19 = tpu.memref_slice %arg4[%min3A_1] : memref<2000xf32, #tpu.memory_space<hbm>> -> memref<128xf32, #tpu.memory_space<hbm>>
    tpu.wait_dma2 semaphore(%arg15 : memref<!tpu.dma_semaphore, #tpu.memory_space<semaphore_mem>>) src(%dma_wait3A_19 : memref<128xf32, #tpu.memory_space<hbm>>) dst(%arg8 : memref<128xf32, #tpu.memory_space<vmem>>)
    %iota3A = tpu.iota {dimensions = array<i32: 0>} : vector<16xi32>
    %broadcast_in_dim3A = arith.constant 0.000000e+00 : f32
    %broadcast_in_dim3A_20 = vector.broadcast %broadcast_in_dim3A : f32 to vector<16xf32>
    %parallel_loop3A = arith.constant 0 : i32
    %parallel_loop3A_21 = arith.constant 8 : i32
    %parallel_loop3A_22 = arith.constant 1 : i32
    %parallel_loop3A_23:3 = scf.for %parallel_loop3A_33 = %parallel_loop3A to %parallel_loop3A_21 step %parallel_loop3A_22 iter_args(%parallel_loop3A_34 = %broadcast_in_dim3A_20, %parallel_loop3A_35 = %broadcast_in_dim3A_20, %parallel_loop3A_36 = %broadcast_in_dim3A_20) -> (vector<16xf32>, vector<16xf32>, vector<16xf32>)  : i32 {
      %parallel_loop3A_37 = arith.constant 16 : i32
      %parallel_loop3A_38 = arith.muli %parallel_loop3A_33, %parallel_loop3A_37 : i32
      %parallel_loop3A_39 = vector.broadcast %parallel_loop3A_38 : i32 to vector<16xi32>
      %parallel_loop3A_40 = arith.addi %parallel_loop3A_39, %iota3A : vector<16xi32>
      %parallel_loop3A_41 = vector.broadcast %min3A_5 : i32 to vector<16xi32>
      %parallel_loop3A_42 = arith.cmpi slt, %parallel_loop3A_40, %parallel_loop3A_41 : vector<16xi32>
      %parallel_loop3A_43 = arith.extui %parallel_loop3A_42 : vector<16xi1> to vector<16xi32>
      %parallel_loop3A_44 = arith.sitofp %parallel_loop3A_43 : vector<16xi32> to vector<16xf32>
      %parallel_loop3A_45 = arith.constant 1 : i32
      %parallel_loop3A_46 = arith.subi %min3A_5, %parallel_loop3A_45 : i32
      %parallel_loop3A_47 = vector.broadcast %parallel_loop3A_46 : i32 to vector<16xi32>
      %parallel_loop3A_48 = arith.minsi %parallel_loop3A_40, %parallel_loop3A_47 : vector<16xi32>
      %parallel_loop3A_49 = vector.broadcast %sub3A : i32 to vector<16xi32>
      %parallel_loop3A_50 = arith.addi %parallel_loop3A_49, %parallel_loop3A_48 : vector<16xi32>
      %parallel_loop3A_51 = arith.constant 8 : i32
      %parallel_loop3A_52 = vector.broadcast %parallel_loop3A_51 : i32 to vector<16xi32>
      %parallel_loop3A_53 = arith.muli %parallel_loop3A_50, %parallel_loop3A_52 : vector<16xi32>
      %parallel_loop3A_54 = arith.constant 0 : i32
      %parallel_loop3A_55 = vector.broadcast %parallel_loop3A_54 : i32 to vector<16xi32>
      %parallel_loop3A_56 = arith.addi %parallel_loop3A_53, %parallel_loop3A_55 : vector<16xi32>
      %parallel_loop3A_57 = tpu.vector_load_idx %arg7[%parallel_loop3A_56] : memref<1024xf32, #tpu.memory_space<vmem>>[vector<16xi32>], vector<16xf32>,
      %parallel_loop3A_58 = arith.constant 2 : i32
      %parallel_loop3A_59 = vector.broadcast %parallel_loop3A_58 : i32 to vector<16xi32>
      %parallel_loop3A_60 = arith.addi %parallel_loop3A_53, %parallel_loop3A_59 : vector<16xi32>
      %parallel_loop3A_61 = tpu.vector_load_idx %arg7[%parallel_loop3A_60] : memref<1024xf32, #tpu.memory_space<vmem>>[vector<16xi32>], vector<16xf32>,
      %parallel_loop3A_62 = arith.constant 4 : i32
      %parallel_loop3A_63 = vector.broadcast %parallel_loop3A_62 : i32 to vector<16xi32>
      %parallel_loop3A_64 = arith.addi %parallel_loop3A_53, %parallel_loop3A_63 : vector<16xi32>
      %parallel_loop3A_65 = tpu.vector_load_idx %arg7[%parallel_loop3A_64] : memref<1024xf32, #tpu.memory_space<vmem>>[vector<16xi32>], vector<16xf32>,
      %parallel_loop3A_66 = arith.constant 6 : i32
      %parallel_loop3A_67 = vector.broadcast %parallel_loop3A_66 : i32 to vector<16xi32>
      %parallel_loop3A_68 = arith.addi %parallel_loop3A_53, %parallel_loop3A_67 : vector<16xi32>
      %parallel_loop3A_69 = tpu.vector_load_idx %arg7[%parallel_loop3A_68] : memref<1024xf32, #tpu.memory_space<vmem>>[vector<16xi32>], vector<16xf32>,
      %parallel_loop3A_70 = arith.constant 0 : i32
      %parallel_loop3A_71 = vector.broadcast %parallel_loop3A_70 : i32 to vector<16xi32>
      %parallel_loop3A_72 = arith.addi %parallel_loop3A_53, %parallel_loop3A_71 : vector<16xi32>
      %parallel_loop3A_73 = arith.constant 1 : i32
      %parallel_loop3A_74 = vector.broadcast %parallel_loop3A_73 : i32 to vector<16xi32>
      %parallel_loop3A_75 = arith.addi %parallel_loop3A_72, %parallel_loop3A_74 : vector<16xi32>
      %parallel_loop3A_76 = tpu.vector_load_idx %arg7[%parallel_loop3A_75] : memref<1024xf32, #tpu.memory_space<vmem>>[vector<16xi32>], vector<16xf32>,
      %parallel_loop3A_77 = arith.constant 2 : i32
      %parallel_loop3A_78 = vector.broadcast %parallel_loop3A_77 : i32 to vector<16xi32>
      %parallel_loop3A_79 = arith.addi %parallel_loop3A_53, %parallel_loop3A_78 : vector<16xi32>
      %parallel_loop3A_80 = arith.constant 1 : i32
      %parallel_loop3A_81 = vector.broadcast %parallel_loop3A_80 : i32 to vector<16xi32>
      %parallel_loop3A_82 = arith.addi %parallel_loop3A_79, %parallel_loop3A_81 : vector<16xi32>
      %parallel_loop3A_83 = tpu.vector_load_idx %arg7[%parallel_loop3A_82] : memref<1024xf32, #tpu.memory_space<vmem>>[vector<16xi32>], vector<16xf32>,
      %parallel_loop3A_84 = arith.constant 4 : i32
      %parallel_loop3A_85 = vector.broadcast %parallel_loop3A_84 : i32 to vector<16xi32>
      %parallel_loop3A_86 = arith.addi %parallel_loop3A_53, %parallel_loop3A_85 : vector<16xi32>
      %parallel_loop3A_87 = arith.constant 1 : i32
      %parallel_loop3A_88 = vector.broadcast %parallel_loop3A_87 : i32 to vector<16xi32>
      %parallel_loop3A_89 = arith.addi %parallel_loop3A_86, %parallel_loop3A_88 : vector<16xi32>
      %parallel_loop3A_90 = tpu.vector_load_idx %arg7[%parallel_loop3A_89] : memref<1024xf32, #tpu.memory_space<vmem>>[vector<16xi32>], vector<16xf32>,
      %parallel_loop3A_91 = arith.constant 6 : i32
      %parallel_loop3A_92 = vector.broadcast %parallel_loop3A_91 : i32 to vector<16xi32>
      %parallel_loop3A_93 = arith.addi %parallel_loop3A_53, %parallel_loop3A_92 : vector<16xi32>
      %parallel_loop3A_94 = arith.constant 1 : i32
      %parallel_loop3A_95 = vector.broadcast %parallel_loop3A_94 : i32 to vector<16xi32>
      %parallel_loop3A_96 = arith.addi %parallel_loop3A_93, %parallel_loop3A_95 : vector<16xi32>
      %parallel_loop3A_97 = tpu.vector_load_idx %arg7[%parallel_loop3A_96] : memref<1024xf32, #tpu.memory_space<vmem>>[vector<16xi32>], vector<16xf32>,
      %parallel_loop3A_98 = arith.addf %parallel_loop3A_57, %parallel_loop3A_65 : vector<16xf32>
      %parallel_loop3A_99 = arith.constant 5.000000e-01 : f32
      %parallel_loop3A_100 = vector.broadcast %parallel_loop3A_99 : f32 to vector<16xf32>
      %parallel_loop3A_101 = arith.mulf %parallel_loop3A_98, %parallel_loop3A_100 : vector<16xf32>
      %parallel_loop3A_102 = arith.addf %parallel_loop3A_76, %parallel_loop3A_90 : vector<16xf32>
      %parallel_loop3A_103 = arith.constant 5.000000e-01 : f32
      %parallel_loop3A_104 = vector.broadcast %parallel_loop3A_103 : f32 to vector<16xf32>
      %parallel_loop3A_105 = arith.mulf %parallel_loop3A_102, %parallel_loop3A_104 : vector<16xf32>
      %parallel_loop3A_106 = arith.subf %parallel_loop3A_97, %parallel_loop3A_76 : vector<16xf32>
      %parallel_loop3A_107 = arith.constant 0.000000e+00 : f32
      %parallel_loop3A_108 = vector.broadcast %parallel_loop3A_107 : f32 to vector<16xf32>
      %parallel_loop3A_109 = arith.cmpf oeq, %parallel_loop3A_106, %parallel_loop3A_108 : vector<16xf32>
      %parallel_loop3A_110 = arith.constant 1.000000e+00 : f32
      %parallel_loop3A_111 = vector.broadcast %parallel_loop3A_110 : f32 to vector<16xf32>
      %parallel_loop3A_112 = arith.select %parallel_loop3A_109, %parallel_loop3A_111, %parallel_loop3A_106 : vector<16xi1>, vector<16xf32>
      %parallel_loop3A_113 = arith.subf %parallel_loop3A_69, %parallel_loop3A_57 : vector<16xf32>
      %parallel_loop3A_114 = arith.subf %parallel_loop3A_76, %parallel_loop3A_83 : vector<16xf32>
      %parallel_loop3A_115 = arith.constant 0.000000e+00 : f32
      %parallel_loop3A_116 = vector.broadcast %parallel_loop3A_115 : f32 to vector<16xf32>
      %parallel_loop3A_117 = arith.cmpf oeq, %parallel_loop3A_114, %parallel_loop3A_116 : vector<16xf32>
      %parallel_loop3A_118 = arith.constant 1.000000e+00 : f32
      %parallel_loop3A_119 = vector.broadcast %parallel_loop3A_118 : f32 to vector<16xf32>
      %parallel_loop3A_120 = arith.select %parallel_loop3A_117, %parallel_loop3A_119, %parallel_loop3A_114 : vector<16xi1>, vector<16xf32>
      %parallel_loop3A_121 = arith.subf %parallel_loop3A_57, %parallel_loop3A_61 : vector<16xf32>
      %parallel_loop3A_122 = arith.subf %parallel_loop3A_83, %parallel_loop3A_90 : vector<16xf32>
      %parallel_loop3A_123 = arith.constant 0.000000e+00 : f32
      %parallel_loop3A_124 = vector.broadcast %parallel_loop3A_123 : f32 to vector<16xf32>
      %parallel_loop3A_125 = arith.cmpf oeq, %parallel_loop3A_122, %parallel_loop3A_124 : vector<16xf32>
      %parallel_loop3A_126 = arith.constant 1.000000e+00 : f32
      %parallel_loop3A_127 = vector.broadcast %parallel_loop3A_126 : f32 to vector<16xf32>
      %parallel_loop3A_128 = arith.select %parallel_loop3A_125, %parallel_loop3A_127, %parallel_loop3A_122 : vector<16xi1>, vector<16xf32>
      %parallel_loop3A_129 = arith.subf %parallel_loop3A_61, %parallel_loop3A_65 : vector<16xf32>
      %parallel_loop3A_130 = arith.subf %parallel_loop3A_90, %parallel_loop3A_97 : vector<16xf32>
      %parallel_loop3A_131 = arith.constant 0.000000e+00 : f32
      %parallel_loop3A_132 = vector.broadcast %parallel_loop3A_131 : f32 to vector<16xf32>
      %parallel_loop3A_133 = arith.cmpf oeq, %parallel_loop3A_130, %parallel_loop3A_132 : vector<16xf32>
      %parallel_loop3A_134 = arith.constant 1.000000e+00 : f32
      %parallel_loop3A_135 = vector.broadcast %parallel_loop3A_134 : f32 to vector<16xf32>
      %parallel_loop3A_136 = arith.select %parallel_loop3A_133, %parallel_loop3A_135, %parallel_loop3A_130 : vector<16xi1>, vector<16xf32>
      %parallel_loop3A_137 = arith.subf %parallel_loop3A_65, %parallel_loop3A_69 : vector<16xf32>
      %parallel_loop3A_138 = arith.constant 18 : i32
      %parallel_loop3A_139 = vector.broadcast %parallel_loop3A_138 : i32 to vector<16xi32>
      %parallel_loop3A_140 = arith.muli %parallel_loop3A_50, %parallel_loop3A_139 : vector<16xi32>
      %parallel_loop3A_141 = arith.constant 0 : i32
      %parallel_loop3A_142 = vector.broadcast %parallel_loop3A_141 : i32 to vector<16xi32>
      %parallel_loop3A_143 = arith.addi %parallel_loop3A_140, %parallel_loop3A_142 : vector<16xi32>
      %parallel_loop3A_144 = tpu.vector_load_idx %arg6[%parallel_loop3A_143] : memref<2304xf32, #tpu.memory_space<vmem>>[vector<16xi32>], vector<16xf32>,
      %parallel_loop3A_145 = arith.constant 0 : i32
      %parallel_loop3A_146 = vector.broadcast %parallel_loop3A_145 : i32 to vector<16xi32>
      %parallel_loop3A_147 = arith.addi %parallel_loop3A_140, %parallel_loop3A_146 : vector<16xi32>
      %parallel_loop3A_148 = arith.constant 1 : i32
      %parallel_loop3A_149 = vector.broadcast %parallel_loop3A_148 : i32 to vector<16xi32>
      %parallel_loop3A_150 = arith.addi %parallel_loop3A_147, %parallel_loop3A_149 : vector<16xi32>
      %parallel_loop3A_151 = tpu.vector_load_idx %arg6[%parallel_loop3A_150] : memref<2304xf32, #tpu.memory_space<vmem>>[vector<16xi32>], vector<16xf32>,
      %parallel_loop3A_152 = arith.cmpf ogt, %parallel_loop3A_76, %parallel_loop3A_151 : vector<16xf32>
      %parallel_loop3A_153 = arith.cmpf ogt, %parallel_loop3A_97, %parallel_loop3A_151 : vector<16xf32>
      %parallel_loop3A_154 = arith.xori %parallel_loop3A_152, %parallel_loop3A_153 : vector<16xi1>
      %parallel_loop3A_155 = arith.subf %parallel_loop3A_151, %parallel_loop3A_76 : vector<16xf32>
      %parallel_loop3A_156 = arith.mulf %parallel_loop3A_113, %parallel_loop3A_155 : vector<16xf32>
      %parallel_loop3A_157 = arith.divf %parallel_loop3A_156, %parallel_loop3A_112 : vector<16xf32>
      %parallel_loop3A_158 = arith.addf %parallel_loop3A_157, %parallel_loop3A_57 : vector<16xf32>
      %parallel_loop3A_159 = arith.cmpf olt, %parallel_loop3A_144, %parallel_loop3A_158 : vector<16xf32>
      %parallel_loop3A_160 = arith.andi %parallel_loop3A_154, %parallel_loop3A_159 : vector<16xi1>
      %parallel_loop3A_161 = arith.cmpf ogt, %parallel_loop3A_83, %parallel_loop3A_151 : vector<16xf32>
      %parallel_loop3A_162 = arith.cmpf ogt, %parallel_loop3A_76, %parallel_loop3A_151 : vector<16xf32>
      %parallel_loop3A_163 = arith.xori %parallel_loop3A_161, %parallel_loop3A_162 : vector<16xi1>
      %parallel_loop3A_164 = arith.subf %parallel_loop3A_151, %parallel_loop3A_83 : vector<16xf32>
      %parallel_loop3A_165 = arith.mulf %parallel_loop3A_121, %parallel_loop3A_164 : vector<16xf32>
      %parallel_loop3A_166 = arith.divf %parallel_loop3A_165, %parallel_loop3A_120 : vector<16xf32>
      %parallel_loop3A_167 = arith.addf %parallel_loop3A_166, %parallel_loop3A_61 : vector<16xf32>
      %parallel_loop3A_168 = arith.cmpf olt, %parallel_loop3A_144, %parallel_loop3A_167 : vector<16xf32>
      %parallel_loop3A_169 = arith.andi %parallel_loop3A_163, %parallel_loop3A_168 : vector<16xi1>
      %parallel_loop3A_170 = arith.xori %parallel_loop3A_160, %parallel_loop3A_169 : vector<16xi1>
      %parallel_loop3A_171 = arith.cmpf ogt, %parallel_loop3A_90, %parallel_loop3A_151 : vector<16xf32>
      %parallel_loop3A_172 = arith.cmpf ogt, %parallel_loop3A_83, %parallel_loop3A_151 : vector<16xf32>
      %parallel_loop3A_173 = arith.xori %parallel_loop3A_171, %parallel_loop3A_172 : vector<16xi1>
      %parallel_loop3A_174 = arith.subf %parallel_loop3A_151, %parallel_loop3A_90 : vector<16xf32>
      %parallel_loop3A_175 = arith.mulf %parallel_loop3A_129, %parallel_loop3A_174 : vector<16xf32>
      %parallel_loop3A_176 = arith.divf %parallel_loop3A_175, %parallel_loop3A_128 : vector<16xf32>
      %parallel_loop3A_177 = arith.addf %parallel_loop3A_176, %parallel_loop3A_65 : vector<16xf32>
      %parallel_loop3A_178 = arith.cmpf olt, %parallel_loop3A_144, %parallel_loop3A_177 : vector<16xf32>
      %parallel_loop3A_179 = arith.andi %parallel_loop3A_173, %parallel_loop3A_178 : vector<16xi1>
      %parallel_loop3A_180 = arith.xori %parallel_loop3A_170, %parallel_loop3A_179 : vector<16xi1>
      %parallel_loop3A_181 = arith.cmpf ogt, %parallel_loop3A_97, %parallel_loop3A_151 : vector<16xf32>
      %parallel_loop3A_182 = arith.cmpf ogt, %parallel_loop3A_90, %parallel_loop3A_151 : vector<16xf32>
      %parallel_loop3A_183 = arith.xori %parallel_loop3A_181, %parallel_loop3A_182 : vector<16xi1>
      %parallel_loop3A_184 = arith.subf %parallel_loop3A_151, %parallel_loop3A_97 : vector<16xf32>
      %parallel_loop3A_185 = arith.mulf %parallel_loop3A_137, %parallel_loop3A_184 : vector<16xf32>
      %parallel_loop3A_186 = arith.divf %parallel_loop3A_185, %parallel_loop3A_136 : vector<16xf32>
      %parallel_loop3A_187 = arith.addf %parallel_loop3A_186, %parallel_loop3A_69 : vector<16xf32>
      %parallel_loop3A_188 = arith.cmpf olt, %parallel_loop3A_144, %parallel_loop3A_187 : vector<16xf32>
      %parallel_loop3A_189 = arith.andi %parallel_loop3A_183, %parallel_loop3A_188 : vector<16xi1>
      %parallel_loop3A_190 = arith.xori %parallel_loop3A_180, %parallel_loop3A_189 : vector<16xi1>
      %parallel_loop3A_191 = arith.select %parallel_loop3A_190, %broadcast_in_dim3A_20, %parallel_loop3A_44 : vector<16xi1>, vector<16xf32>
      %parallel_loop3A_192 = arith.subf %parallel_loop3A_144, %parallel_loop3A_101 : vector<16xf32>
      %parallel_loop3A_193 = arith.subf %parallel_loop3A_151, %parallel_loop3A_105 : vector<16xf32>
      %parallel_loop3A_194 = arith.mulf %parallel_loop3A_192, %parallel_loop3A_192 : vector<16xf32>
      %parallel_loop3A_195 = arith.mulf %parallel_loop3A_193, %parallel_loop3A_193 : vector<16xf32>
      %parallel_loop3A_196 = arith.addf %parallel_loop3A_194, %parallel_loop3A_195 : vector<16xf32>
      %parallel_loop3A_197 = vector.bitcast %parallel_loop3A_196 : vector<16xf32> to vector<16xi32>
      %parallel_loop3A_198 = arith.constant 1 : i32
      %parallel_loop3A_199 = vector.broadcast %parallel_loop3A_198 : i32 to vector<16xi32>
      %parallel_loop3A_200 = arith.shrsi %parallel_loop3A_197, %parallel_loop3A_199 : vector<16xi32>
      %parallel_loop3A_201 = arith.constant 1597463007 : i32
      %parallel_loop3A_202 = vector.broadcast %parallel_loop3A_201 : i32 to vector<16xi32>
      %parallel_loop3A_203 = arith.subi %parallel_loop3A_202, %parallel_loop3A_200 : vector<16xi32>
      %parallel_loop3A_204 = vector.bitcast %parallel_loop3A_203 : vector<16xi32> to vector<16xf32>
      %parallel_loop3A_205 = arith.mulf %parallel_loop3A_196, %parallel_loop3A_204 : vector<16xf32>
      %parallel_loop3A_206 = arith.constant 5.000000e-01 : f32
      %parallel_loop3A_207 = vector.broadcast %parallel_loop3A_206 : f32 to vector<16xf32>
      %parallel_loop3A_208 = arith.mulf %parallel_loop3A_207, %parallel_loop3A_205 : vector<16xf32>
      %parallel_loop3A_209 = arith.mulf %parallel_loop3A_208, %parallel_loop3A_204 : vector<16xf32>
      %parallel_loop3A_210 = arith.constant 1.500000e+00 : f32
      %parallel_loop3A_211 = vector.broadcast %parallel_loop3A_210 : f32 to vector<16xf32>
      %parallel_loop3A_212 = arith.subf %parallel_loop3A_211, %parallel_loop3A_209 : vector<16xf32>
      %parallel_loop3A_213 = arith.mulf %parallel_loop3A_204, %parallel_loop3A_212 : vector<16xf32>
      %parallel_loop3A_214 = arith.mulf %parallel_loop3A_196, %parallel_loop3A_213 : vector<16xf32>
      %parallel_loop3A_215 = arith.constant 5.000000e-01 : f32
      %parallel_loop3A_216 = vector.broadcast %parallel_loop3A_215 : f32 to vector<16xf32>
      %parallel_loop3A_217 = arith.mulf %parallel_loop3A_216, %parallel_loop3A_214 : vector<16xf32>
      %parallel_loop3A_218 = arith.mulf %parallel_loop3A_217, %parallel_loop3A_213 : vector<16xf32>
      %parallel_loop3A_219 = arith.constant 1.500000e+00 : f32
      %parallel_loop3A_220 = vector.broadcast %parallel_loop3A_219 : f32 to vector<16xf32>
      %parallel_loop3A_221 = arith.subf %parallel_loop3A_220, %parallel_loop3A_218 : vector<16xf32>
      %parallel_loop3A_222 = arith.mulf %parallel_loop3A_213, %parallel_loop3A_221 : vector<16xf32>
      %parallel_loop3A_223 = arith.mulf %parallel_loop3A_196, %parallel_loop3A_222 : vector<16xf32>
      %parallel_loop3A_224 = arith.constant 5.000000e-01 : f32
      %parallel_loop3A_225 = vector.broadcast %parallel_loop3A_224 : f32 to vector<16xf32>
      %parallel_loop3A_226 = arith.mulf %parallel_loop3A_225, %parallel_loop3A_223 : vector<16xf32>
      %parallel_loop3A_227 = arith.mulf %parallel_loop3A_226, %parallel_loop3A_222 : vector<16xf32>
      %parallel_loop3A_228 = arith.constant 1.500000e+00 : f32
      %parallel_loop3A_229 = vector.broadcast %parallel_loop3A_228 : f32 to vector<16xf32>
      %parallel_loop3A_230 = arith.subf %parallel_loop3A_229, %parallel_loop3A_227 : vector<16xf32>
      %parallel_loop3A_231 = arith.mulf %parallel_loop3A_222, %parallel_loop3A_230 : vector<16xf32>
      %parallel_loop3A_232 = arith.mulf %parallel_loop3A_196, %parallel_loop3A_231 : vector<16xf32>
      %parallel_loop3A_233 = arith.constant 2.000000e-01 : f32
      %parallel_loop3A_234 = vector.broadcast %parallel_loop3A_233 : f32 to vector<16xf32>
      %parallel_loop3A_235 = arith.mulf %parallel_loop3A_234, %parallel_loop3A_232 : vector<16xf32>
      %parallel_loop3A_236 = arith.mulf %parallel_loop3A_235, %parallel_loop3A_191 : vector<16xf32>
      %parallel_loop3A_237 = arith.addf %parallel_loop3A_34, %parallel_loop3A_236 : vector<16xf32>
      %parallel_loop3A_238 = arith.addf %parallel_loop3A_35, %parallel_loop3A_191 : vector<16xf32>
      %parallel_loop3A_239 = arith.constant 2 : i32
      %parallel_loop3A_240 = vector.broadcast %parallel_loop3A_239 : i32 to vector<16xi32>
      %parallel_loop3A_241 = arith.addi %parallel_loop3A_140, %parallel_loop3A_240 : vector<16xi32>
      %parallel_loop3A_242 = tpu.vector_load_idx %arg6[%parallel_loop3A_241] : memref<2304xf32, #tpu.memory_space<vmem>>[vector<16xi32>], vector<16xf32>,
      %parallel_loop3A_243 = arith.constant 2 : i32
      %parallel_loop3A_244 = vector.broadcast %parallel_loop3A_243 : i32 to vector<16xi32>
      %parallel_loop3A_245 = arith.addi %parallel_loop3A_140, %parallel_loop3A_244 : vector<16xi32>
      %parallel_loop3A_246 = arith.constant 1 : i32
      %parallel_loop3A_247 = vector.broadcast %parallel_loop3A_246 : i32 to vector<16xi32>
      %parallel_loop3A_248 = arith.addi %parallel_loop3A_245, %parallel_loop3A_247 : vector<16xi32>
      %parallel_loop3A_249 = tpu.vector_load_idx %arg6[%parallel_loop3A_248] : memref<2304xf32, #tpu.memory_space<vmem>>[vector<16xi32>], vector<16xf32>,
      %parallel_loop3A_250 = arith.cmpf ogt, %parallel_loop3A_76, %parallel_loop3A_249 : vector<16xf32>
      %parallel_loop3A_251 = arith.cmpf ogt, %parallel_loop3A_97, %parallel_loop3A_249 : vector<16xf32>
      %parallel_loop3A_252 = arith.xori %parallel_loop3A_250, %parallel_loop3A_251 : vector<16xi1>
      %parallel_loop3A_253 = arith.subf %parallel_loop3A_249, %parallel_loop3A_76 : vector<16xf32>
      %parallel_loop3A_254 = arith.mulf %parallel_loop3A_113, %parallel_loop3A_253 : vector<16xf32>
      %parallel_loop3A_255 = arith.divf %parallel_loop3A_254, %parallel_loop3A_112 : vector<16xf32>
      %parallel_loop3A_256 = arith.addf %parallel_loop3A_255, %parallel_loop3A_57 : vector<16xf32>
      %parallel_loop3A_257 = arith.cmpf olt, %parallel_loop3A_242, %parallel_loop3A_256 : vector<16xf32>
      %parallel_loop3A_258 = arith.andi %parallel_loop3A_252, %parallel_loop3A_257 : vector<16xi1>
      %parallel_loop3A_259 = arith.cmpf ogt, %parallel_loop3A_83, %parallel_loop3A_249 : vector<16xf32>
      %parallel_loop3A_260 = arith.cmpf ogt, %parallel_loop3A_76, %parallel_loop3A_249 : vector<16xf32>
      %parallel_loop3A_261 = arith.xori %parallel_loop3A_259, %parallel_loop3A_260 : vector<16xi1>
      %parallel_loop3A_262 = arith.subf %parallel_loop3A_249, %parallel_loop3A_83 : vector<16xf32>
      %parallel_loop3A_263 = arith.mulf %parallel_loop3A_121, %parallel_loop3A_262 : vector<16xf32>
      %parallel_loop3A_264 = arith.divf %parallel_loop3A_263, %parallel_loop3A_120 : vector<16xf32>
      %parallel_loop3A_265 = arith.addf %parallel_loop3A_264, %parallel_loop3A_61 : vector<16xf32>
      %parallel_loop3A_266 = arith.cmpf olt, %parallel_loop3A_242, %parallel_loop3A_265 : vector<16xf32>
      %parallel_loop3A_267 = arith.andi %parallel_loop3A_261, %parallel_loop3A_266 : vector<16xi1>
      %parallel_loop3A_268 = arith.xori %parallel_loop3A_258, %parallel_loop3A_267 : vector<16xi1>
      %parallel_loop3A_269 = arith.cmpf ogt, %parallel_loop3A_90, %parallel_loop3A_249 : vector<16xf32>
      %parallel_loop3A_270 = arith.cmpf ogt, %parallel_loop3A_83, %parallel_loop3A_249 : vector<16xf32>
      %parallel_loop3A_271 = arith.xori %parallel_loop3A_269, %parallel_loop3A_270 : vector<16xi1>
      %parallel_loop3A_272 = arith.subf %parallel_loop3A_249, %parallel_loop3A_90 : vector<16xf32>
      %parallel_loop3A_273 = arith.mulf %parallel_loop3A_129, %parallel_loop3A_272 : vector<16xf32>
      %parallel_loop3A_274 = arith.divf %parallel_loop3A_273, %parallel_loop3A_128 : vector<16xf32>
      %parallel_loop3A_275 = arith.addf %parallel_loop3A_274, %parallel_loop3A_65 : vector<16xf32>
      %parallel_loop3A_276 = arith.cmpf olt, %parallel_loop3A_242, %parallel_loop3A_275 : vector<16xf32>
      %parallel_loop3A_277 = arith.andi %parallel_loop3A_271, %parallel_loop3A_276 : vector<16xi1>
      %parallel_loop3A_278 = arith.xori %parallel_loop3A_268, %parallel_loop3A_277 : vector<16xi1>
      %parallel_loop3A_279 = arith.cmpf ogt, %parallel_loop3A_97, %parallel_loop3A_249 : vector<16xf32>
      %parallel_loop3A_280 = arith.cmpf ogt, %parallel_loop3A_90, %parallel_loop3A_249 : vector<16xf32>
      %parallel_loop3A_281 = arith.xori %parallel_loop3A_279, %parallel_loop3A_280 : vector<16xi1>
      %parallel_loop3A_282 = arith.subf %parallel_loop3A_249, %parallel_loop3A_97 : vector<16xf32>
      %parallel_loop3A_283 = arith.mulf %parallel_loop3A_137, %parallel_loop3A_282 : vector<16xf32>
      %parallel_loop3A_284 = arith.divf %parallel_loop3A_283, %parallel_loop3A_136 : vector<16xf32>
      %parallel_loop3A_285 = arith.addf %parallel_loop3A_284, %parallel_loop3A_69 : vector<16xf32>
      %parallel_loop3A_286 = arith.cmpf olt, %parallel_loop3A_242, %parallel_loop3A_285 : vector<16xf32>
      %parallel_loop3A_287 = arith.andi %parallel_loop3A_281, %parallel_loop3A_286 : vector<16xi1>
      %parallel_loop3A_288 = arith.xori %parallel_loop3A_278, %parallel_loop3A_287 : vector<16xi1>
      %parallel_loop3A_289 = arith.select %parallel_loop3A_288, %broadcast_in_dim3A_20, %parallel_loop3A_44 : vector<16xi1>, vector<16xf32>
      %parallel_loop3A_290 = arith.subf %parallel_loop3A_242, %parallel_loop3A_101 : vector<16xf32>
      %parallel_loop3A_291 = arith.subf %parallel_loop3A_249, %parallel_loop3A_105 : vector<16xf32>
      %parallel_loop3A_292 = arith.mulf %parallel_loop3A_290, %parallel_loop3A_290 : vector<16xf32>
      %parallel_loop3A_293 = arith.mulf %parallel_loop3A_291, %parallel_loop3A_291 : vector<16xf32>
      %parallel_loop3A_294 = arith.addf %parallel_loop3A_292, %parallel_loop3A_293 : vector<16xf32>
      %parallel_loop3A_295 = vector.bitcast %parallel_loop3A_294 : vector<16xf32> to vector<16xi32>
      %parallel_loop3A_296 = arith.constant 1 : i32
      %parallel_loop3A_297 = vector.broadcast %parallel_loop3A_296 : i32 to vector<16xi32>
      %parallel_loop3A_298 = arith.shrsi %parallel_loop3A_295, %parallel_loop3A_297 : vector<16xi32>
      %parallel_loop3A_299 = arith.constant 1597463007 : i32
      %parallel_loop3A_300 = vector.broadcast %parallel_loop3A_299 : i32 to vector<16xi32>
      %parallel_loop3A_301 = arith.subi %parallel_loop3A_300, %parallel_loop3A_298 : vector<16xi32>
      %parallel_loop3A_302 = vector.bitcast %parallel_loop3A_301 : vector<16xi32> to vector<16xf32>
      %parallel_loop3A_303 = arith.mulf %parallel_loop3A_294, %parallel_loop3A_302 : vector<16xf32>
      %parallel_loop3A_304 = arith.constant 5.000000e-01 : f32
      %parallel_loop3A_305 = vector.broadcast %parallel_loop3A_304 : f32 to vector<16xf32>
      %parallel_loop3A_306 = arith.mulf %parallel_loop3A_305, %parallel_loop3A_303 : vector<16xf32>
      %parallel_loop3A_307 = arith.mulf %parallel_loop3A_306, %parallel_loop3A_302 : vector<16xf32>
      %parallel_loop3A_308 = arith.constant 1.500000e+00 : f32
      %parallel_loop3A_309 = vector.broadcast %parallel_loop3A_308 : f32 to vector<16xf32>
      %parallel_loop3A_310 = arith.subf %parallel_loop3A_309, %parallel_loop3A_307 : vector<16xf32>
      %parallel_loop3A_311 = arith.mulf %parallel_loop3A_302, %parallel_loop3A_310 : vector<16xf32>
      %parallel_loop3A_312 = arith.mulf %parallel_loop3A_294, %parallel_loop3A_311 : vector<16xf32>
      %parallel_loop3A_313 = arith.constant 5.000000e-01 : f32
      %parallel_loop3A_314 = vector.broadcast %parallel_loop3A_313 : f32 to vector<16xf32>
      %parallel_loop3A_315 = arith.mulf %parallel_loop3A_314, %parallel_loop3A_312 : vector<16xf32>
      %parallel_loop3A_316 = arith.mulf %parallel_loop3A_315, %parallel_loop3A_311 : vector<16xf32>
      %parallel_loop3A_317 = arith.constant 1.500000e+00 : f32
      %parallel_loop3A_318 = vector.broadcast %parallel_loop3A_317 : f32 to vector<16xf32>
      %parallel_loop3A_319 = arith.subf %parallel_loop3A_318, %parallel_loop3A_316 : vector<16xf32>
      %parallel_loop3A_320 = arith.mulf %parallel_loop3A_311, %parallel_loop3A_319 : vector<16xf32>
      %parallel_loop3A_321 = arith.mulf %parallel_loop3A_294, %parallel_loop3A_320 : vector<16xf32>
      %parallel_loop3A_322 = arith.constant 5.000000e-01 : f32
      %parallel_loop3A_323 = vector.broadcast %parallel_loop3A_322 : f32 to vector<16xf32>
      %parallel_loop3A_324 = arith.mulf %parallel_loop3A_323, %parallel_loop3A_321 : vector<16xf32>
      %parallel_loop3A_325 = arith.mulf %parallel_loop3A_324, %parallel_loop3A_320 : vector<16xf32>
      %parallel_loop3A_326 = arith.constant 1.500000e+00 : f32
      %parallel_loop3A_327 = vector.broadcast %parallel_loop3A_326 : f32 to vector<16xf32>
      %parallel_loop3A_328 = arith.subf %parallel_loop3A_327, %parallel_loop3A_325 : vector<16xf32>
      %parallel_loop3A_329 = arith.mulf %parallel_loop3A_320, %parallel_loop3A_328 : vector<16xf32>
      %parallel_loop3A_330 = arith.mulf %parallel_loop3A_294, %parallel_loop3A_329 : vector<16xf32>
      %parallel_loop3A_331 = arith.constant 2.000000e-01 : f32
      %parallel_loop3A_332 = vector.broadcast %parallel_loop3A_331 : f32 to vector<16xf32>
      %parallel_loop3A_333 = arith.mulf %parallel_loop3A_332, %parallel_loop3A_330 : vector<16xf32>
      %parallel_loop3A_334 = arith.mulf %parallel_loop3A_333, %parallel_loop3A_289 : vector<16xf32>
      %parallel_loop3A_335 = arith.addf %parallel_loop3A_237, %parallel_loop3A_334 : vector<16xf32>
      %parallel_loop3A_336 = arith.addf %parallel_loop3A_238, %parallel_loop3A_289 : vector<16xf32>
      %parallel_loop3A_337 = arith.constant 4 : i32
      %parallel_loop3A_338 = vector.broadcast %parallel_loop3A_337 : i32 to vector<16xi32>
      %parallel_loop3A_339 = arith.addi %parallel_loop3A_140, %parallel_loop3A_338 : vector<16xi32>
      %parallel_loop3A_340 = tpu.vector_load_idx %arg6[%parallel_loop3A_339] : memref<2304xf32, #tpu.memory_space<vmem>>[vector<16xi32>], vector<16xf32>,
      %parallel_loop3A_341 = arith.constant 4 : i32
      %parallel_loop3A_342 = vector.broadcast %parallel_loop3A_341 : i32 to vector<16xi32>
      %parallel_loop3A_343 = arith.addi %parallel_loop3A_140, %parallel_loop3A_342 : vector<16xi32>
      %parallel_loop3A_344 = arith.constant 1 : i32
      %parallel_loop3A_345 = vector.broadcast %parallel_loop3A_344 : i32 to vector<16xi32>
      %parallel_loop3A_346 = arith.addi %parallel_loop3A_343, %parallel_loop3A_345 : vector<16xi32>
      %parallel_loop3A_347 = tpu.vector_load_idx %arg6[%parallel_loop3A_346] : memref<2304xf32, #tpu.memory_space<vmem>>[vector<16xi32>], vector<16xf32>,
      %parallel_loop3A_348 = arith.cmpf ogt, %parallel_loop3A_76, %parallel_loop3A_347 : vector<16xf32>
      %parallel_loop3A_349 = arith.cmpf ogt, %parallel_loop3A_97, %parallel_loop3A_347 : vector<16xf32>
      %parallel_loop3A_350 = arith.xori %parallel_loop3A_348, %parallel_loop3A_349 : vector<16xi1>
      %parallel_loop3A_351 = arith.subf %parallel_loop3A_347, %parallel_loop3A_76 : vector<16xf32>
      %parallel_loop3A_352 = arith.mulf %parallel_loop3A_113, %parallel_loop3A_351 : vector<16xf32>
      %parallel_loop3A_353 = arith.divf %parallel_loop3A_352, %parallel_loop3A_112 : vector<16xf32>
      %parallel_loop3A_354 = arith.addf %parallel_loop3A_353, %parallel_loop3A_57 : vector<16xf32>
      %parallel_loop3A_355 = arith.cmpf olt, %parallel_loop3A_340, %parallel_loop3A_354 : vector<16xf32>
      %parallel_loop3A_356 = arith.andi %parallel_loop3A_350, %parallel_loop3A_355 : vector<16xi1>
      %parallel_loop3A_357 = arith.cmpf ogt, %parallel_loop3A_83, %parallel_loop3A_347 : vector<16xf32>
      %parallel_loop3A_358 = arith.cmpf ogt, %parallel_loop3A_76, %parallel_loop3A_347 : vector<16xf32>
      %parallel_loop3A_359 = arith.xori %parallel_loop3A_357, %parallel_loop3A_358 : vector<16xi1>
      %parallel_loop3A_360 = arith.subf %parallel_loop3A_347, %parallel_loop3A_83 : vector<16xf32>
      %parallel_loop3A_361 = arith.mulf %parallel_loop3A_121, %parallel_loop3A_360 : vector<16xf32>
      %parallel_loop3A_362 = arith.divf %parallel_loop3A_361, %parallel_loop3A_120 : vector<16xf32>
      %parallel_loop3A_363 = arith.addf %parallel_loop3A_362, %parallel_loop3A_61 : vector<16xf32>
      %parallel_loop3A_364 = arith.cmpf olt, %parallel_loop3A_340, %parallel_loop3A_363 : vector<16xf32>
      %parallel_loop3A_365 = arith.andi %parallel_loop3A_359, %parallel_loop3A_364 : vector<16xi1>
      %parallel_loop3A_366 = arith.xori %parallel_loop3A_356, %parallel_loop3A_365 : vector<16xi1>
      %parallel_loop3A_367 = arith.cmpf ogt, %parallel_loop3A_90, %parallel_loop3A_347 : vector<16xf32>
      %parallel_loop3A_368 = arith.cmpf ogt, %parallel_loop3A_83, %parallel_loop3A_347 : vector<16xf32>
      %parallel_loop3A_369 = arith.xori %parallel_loop3A_367, %parallel_loop3A_368 : vector<16xi1>
      %parallel_loop3A_370 = arith.subf %parallel_loop3A_347, %parallel_loop3A_90 : vector<16xf32>
      %parallel_loop3A_371 = arith.mulf %parallel_loop3A_129, %parallel_loop3A_370 : vector<16xf32>
      %parallel_loop3A_372 = arith.divf %parallel_loop3A_371, %parallel_loop3A_128 : vector<16xf32>
      %parallel_loop3A_373 = arith.addf %parallel_loop3A_372, %parallel_loop3A_65 : vector<16xf32>
      %parallel_loop3A_374 = arith.cmpf olt, %parallel_loop3A_340, %parallel_loop3A_373 : vector<16xf32>
      %parallel_loop3A_375 = arith.andi %parallel_loop3A_369, %parallel_loop3A_374 : vector<16xi1>
      %parallel_loop3A_376 = arith.xori %parallel_loop3A_366, %parallel_loop3A_375 : vector<16xi1>
      %parallel_loop3A_377 = arith.cmpf ogt, %parallel_loop3A_97, %parallel_loop3A_347 : vector<16xf32>
      %parallel_loop3A_378 = arith.cmpf ogt, %parallel_loop3A_90, %parallel_loop3A_347 : vector<16xf32>
      %parallel_loop3A_379 = arith.xori %parallel_loop3A_377, %parallel_loop3A_378 : vector<16xi1>
      %parallel_loop3A_380 = arith.subf %parallel_loop3A_347, %parallel_loop3A_97 : vector<16xf32>
      %parallel_loop3A_381 = arith.mulf %parallel_loop3A_137, %parallel_loop3A_380 : vector<16xf32>
      %parallel_loop3A_382 = arith.divf %parallel_loop3A_381, %parallel_loop3A_136 : vector<16xf32>
      %parallel_loop3A_383 = arith.addf %parallel_loop3A_382, %parallel_loop3A_69 : vector<16xf32>
      %parallel_loop3A_384 = arith.cmpf olt, %parallel_loop3A_340, %parallel_loop3A_383 : vector<16xf32>
      %parallel_loop3A_385 = arith.andi %parallel_loop3A_379, %parallel_loop3A_384 : vector<16xi1>
      %parallel_loop3A_386 = arith.xori %parallel_loop3A_376, %parallel_loop3A_385 : vector<16xi1>
      %parallel_loop3A_387 = arith.select %parallel_loop3A_386, %broadcast_in_dim3A_20, %parallel_loop3A_44 : vector<16xi1>, vector<16xf32>
      %parallel_loop3A_388 = arith.subf %parallel_loop3A_340, %parallel_loop3A_101 : vector<16xf32>
      %parallel_loop3A_389 = arith.subf %parallel_loop3A_347, %parallel_loop3A_105 : vector<16xf32>
      %parallel_loop3A_390 = arith.mulf %parallel_loop3A_388, %parallel_loop3A_388 : vector<16xf32>
      %parallel_loop3A_391 = arith.mulf %parallel_loop3A_389, %parallel_loop3A_389 : vector<16xf32>
      %parallel_loop3A_392 = arith.addf %parallel_loop3A_390, %parallel_loop3A_391 : vector<16xf32>
      %parallel_loop3A_393 = vector.bitcast %parallel_loop3A_392 : vector<16xf32> to vector<16xi32>
      %parallel_loop3A_394 = arith.constant 1 : i32
      %parallel_loop3A_395 = vector.broadcast %parallel_loop3A_394 : i32 to vector<16xi32>
      %parallel_loop3A_396 = arith.shrsi %parallel_loop3A_393, %parallel_loop3A_395 : vector<16xi32>
      %parallel_loop3A_397 = arith.constant 1597463007 : i32
      %parallel_loop3A_398 = vector.broadcast %parallel_loop3A_397 : i32 to vector<16xi32>
      %parallel_loop3A_399 = arith.subi %parallel_loop3A_398, %parallel_loop3A_396 : vector<16xi32>
      %parallel_loop3A_400 = vector.bitcast %parallel_loop3A_399 : vector<16xi32> to vector<16xf32>
      %parallel_loop3A_401 = arith.mulf %parallel_loop3A_392, %parallel_loop3A_400 : vector<16xf32>
      %parallel_loop3A_402 = arith.constant 5.000000e-01 : f32
      %parallel_loop3A_403 = vector.broadcast %parallel_loop3A_402 : f32 to vector<16xf32>
      %parallel_loop3A_404 = arith.mulf %parallel_loop3A_403, %parallel_loop3A_401 : vector<16xf32>
      %parallel_loop3A_405 = arith.mulf %parallel_loop3A_404, %parallel_loop3A_400 : vector<16xf32>
      %parallel_loop3A_406 = arith.constant 1.500000e+00 : f32
      %parallel_loop3A_407 = vector.broadcast %parallel_loop3A_406 : f32 to vector<16xf32>
      %parallel_loop3A_408 = arith.subf %parallel_loop3A_407, %parallel_loop3A_405 : vector<16xf32>
      %parallel_loop3A_409 = arith.mulf %parallel_loop3A_400, %parallel_loop3A_408 : vector<16xf32>
      %parallel_loop3A_410 = arith.mulf %parallel_loop3A_392, %parallel_loop3A_409 : vector<16xf32>
      %parallel_loop3A_411 = arith.constant 5.000000e-01 : f32
      %parallel_loop3A_412 = vector.broadcast %parallel_loop3A_411 : f32 to vector<16xf32>
      %parallel_loop3A_413 = arith.mulf %parallel_loop3A_412, %parallel_loop3A_410 : vector<16xf32>
      %parallel_loop3A_414 = arith.mulf %parallel_loop3A_413, %parallel_loop3A_409 : vector<16xf32>
      %parallel_loop3A_415 = arith.constant 1.500000e+00 : f32
      %parallel_loop3A_416 = vector.broadcast %parallel_loop3A_415 : f32 to vector<16xf32>
      %parallel_loop3A_417 = arith.subf %parallel_loop3A_416, %parallel_loop3A_414 : vector<16xf32>
      %parallel_loop3A_418 = arith.mulf %parallel_loop3A_409, %parallel_loop3A_417 : vector<16xf32>
      %parallel_loop3A_419 = arith.mulf %parallel_loop3A_392, %parallel_loop3A_418 : vector<16xf32>
      %parallel_loop3A_420 = arith.constant 5.000000e-01 : f32
      %parallel_loop3A_421 = vector.broadcast %parallel_loop3A_420 : f32 to vector<16xf32>
      %parallel_loop3A_422 = arith.mulf %parallel_loop3A_421, %parallel_loop3A_419 : vector<16xf32>
      %parallel_loop3A_423 = arith.mulf %parallel_loop3A_422, %parallel_loop3A_418 : vector<16xf32>
      %parallel_loop3A_424 = arith.constant 1.500000e+00 : f32
      %parallel_loop3A_425 = vector.broadcast %parallel_loop3A_424 : f32 to vector<16xf32>
      %parallel_loop3A_426 = arith.subf %parallel_loop3A_425, %parallel_loop3A_423 : vector<16xf32>
      %parallel_loop3A_427 = arith.mulf %parallel_loop3A_418, %parallel_loop3A_426 : vector<16xf32>
      %parallel_loop3A_428 = arith.mulf %parallel_loop3A_392, %parallel_loop3A_427 : vector<16xf32>
      %parallel_loop3A_429 = arith.constant 2.000000e-01 : f32
      %parallel_loop3A_430 = vector.broadcast %parallel_loop3A_429 : f32 to vector<16xf32>
      %parallel_loop3A_431 = arith.mulf %parallel_loop3A_430, %parallel_loop3A_428 : vector<16xf32>
      %parallel_loop3A_432 = arith.mulf %parallel_loop3A_431, %parallel_loop3A_387 : vector<16xf32>
      %parallel_loop3A_433 = arith.addf %parallel_loop3A_335, %parallel_loop3A_432 : vector<16xf32>
      %parallel_loop3A_434 = arith.addf %parallel_loop3A_336, %parallel_loop3A_387 : vector<16xf32>
      %parallel_loop3A_435 = arith.constant 6 : i32
      %parallel_loop3A_436 = vector.broadcast %parallel_loop3A_435 : i32 to vector<16xi32>
      %parallel_loop3A_437 = arith.addi %parallel_loop3A_140, %parallel_loop3A_436 : vector<16xi32>
      %parallel_loop3A_438 = tpu.vector_load_idx %arg6[%parallel_loop3A_437] : memref<2304xf32, #tpu.memory_space<vmem>>[vector<16xi32>], vector<16xf32>,
      %parallel_loop3A_439 = arith.constant 6 : i32
      %parallel_loop3A_440 = vector.broadcast %parallel_loop3A_439 : i32 to vector<16xi32>
      %parallel_loop3A_441 = arith.addi %parallel_loop3A_140, %parallel_loop3A_440 : vector<16xi32>
      %parallel_loop3A_442 = arith.constant 1 : i32
      %parallel_loop3A_443 = vector.broadcast %parallel_loop3A_442 : i32 to vector<16xi32>
      %parallel_loop3A_444 = arith.addi %parallel_loop3A_441, %parallel_loop3A_443 : vector<16xi32>
      %parallel_loop3A_445 = tpu.vector_load_idx %arg6[%parallel_loop3A_444] : memref<2304xf32, #tpu.memory_space<vmem>>[vector<16xi32>], vector<16xf32>,
      %parallel_loop3A_446 = arith.cmpf ogt, %parallel_loop3A_76, %parallel_loop3A_445 : vector<16xf32>
      %parallel_loop3A_447 = arith.cmpf ogt, %parallel_loop3A_97, %parallel_loop3A_445 : vector<16xf32>
      %parallel_loop3A_448 = arith.xori %parallel_loop3A_446, %parallel_loop3A_447 : vector<16xi1>
      %parallel_loop3A_449 = arith.subf %parallel_loop3A_445, %parallel_loop3A_76 : vector<16xf32>
      %parallel_loop3A_450 = arith.mulf %parallel_loop3A_113, %parallel_loop3A_449 : vector<16xf32>
      %parallel_loop3A_451 = arith.divf %parallel_loop3A_450, %parallel_loop3A_112 : vector<16xf32>
      %parallel_loop3A_452 = arith.addf %parallel_loop3A_451, %parallel_loop3A_57 : vector<16xf32>
      %parallel_loop3A_453 = arith.cmpf olt, %parallel_loop3A_438, %parallel_loop3A_452 : vector<16xf32>
      %parallel_loop3A_454 = arith.andi %parallel_loop3A_448, %parallel_loop3A_453 : vector<16xi1>
      %parallel_loop3A_455 = arith.cmpf ogt, %parallel_loop3A_83, %parallel_loop3A_445 : vector<16xf32>
      %parallel_loop3A_456 = arith.cmpf ogt, %parallel_loop3A_76, %parallel_loop3A_445 : vector<16xf32>
      %parallel_loop3A_457 = arith.xori %parallel_loop3A_455, %parallel_loop3A_456 : vector<16xi1>
      %parallel_loop3A_458 = arith.subf %parallel_loop3A_445, %parallel_loop3A_83 : vector<16xf32>
      %parallel_loop3A_459 = arith.mulf %parallel_loop3A_121, %parallel_loop3A_458 : vector<16xf32>
      %parallel_loop3A_460 = arith.divf %parallel_loop3A_459, %parallel_loop3A_120 : vector<16xf32>
      %parallel_loop3A_461 = arith.addf %parallel_loop3A_460, %parallel_loop3A_61 : vector<16xf32>
      %parallel_loop3A_462 = arith.cmpf olt, %parallel_loop3A_438, %parallel_loop3A_461 : vector<16xf32>
      %parallel_loop3A_463 = arith.andi %parallel_loop3A_457, %parallel_loop3A_462 : vector<16xi1>
      %parallel_loop3A_464 = arith.xori %parallel_loop3A_454, %parallel_loop3A_463 : vector<16xi1>
      %parallel_loop3A_465 = arith.cmpf ogt, %parallel_loop3A_90, %parallel_loop3A_445 : vector<16xf32>
      %parallel_loop3A_466 = arith.cmpf ogt, %parallel_loop3A_83, %parallel_loop3A_445 : vector<16xf32>
      %parallel_loop3A_467 = arith.xori %parallel_loop3A_465, %parallel_loop3A_466 : vector<16xi1>
      %parallel_loop3A_468 = arith.subf %parallel_loop3A_445, %parallel_loop3A_90 : vector<16xf32>
      %parallel_loop3A_469 = arith.mulf %parallel_loop3A_129, %parallel_loop3A_468 : vector<16xf32>
      %parallel_loop3A_470 = arith.divf %parallel_loop3A_469, %parallel_loop3A_128 : vector<16xf32>
      %parallel_loop3A_471 = arith.addf %parallel_loop3A_470, %parallel_loop3A_65 : vector<16xf32>
      %parallel_loop3A_472 = arith.cmpf olt, %parallel_loop3A_438, %parallel_loop3A_471 : vector<16xf32>
      %parallel_loop3A_473 = arith.andi %parallel_loop3A_467, %parallel_loop3A_472 : vector<16xi1>
      %parallel_loop3A_474 = arith.xori %parallel_loop3A_464, %parallel_loop3A_473 : vector<16xi1>
      %parallel_loop3A_475 = arith.cmpf ogt, %parallel_loop3A_97, %parallel_loop3A_445 : vector<16xf32>
      %parallel_loop3A_476 = arith.cmpf ogt, %parallel_loop3A_90, %parallel_loop3A_445 : vector<16xf32>
      %parallel_loop3A_477 = arith.xori %parallel_loop3A_475, %parallel_loop3A_476 : vector<16xi1>
      %parallel_loop3A_478 = arith.subf %parallel_loop3A_445, %parallel_loop3A_97 : vector<16xf32>
      %parallel_loop3A_479 = arith.mulf %parallel_loop3A_137, %parallel_loop3A_478 : vector<16xf32>
      %parallel_loop3A_480 = arith.divf %parallel_loop3A_479, %parallel_loop3A_136 : vector<16xf32>
      %parallel_loop3A_481 = arith.addf %parallel_loop3A_480, %parallel_loop3A_69 : vector<16xf32>
      %parallel_loop3A_482 = arith.cmpf olt, %parallel_loop3A_438, %parallel_loop3A_481 : vector<16xf32>
      %parallel_loop3A_483 = arith.andi %parallel_loop3A_477, %parallel_loop3A_482 : vector<16xi1>
      %parallel_loop3A_484 = arith.xori %parallel_loop3A_474, %parallel_loop3A_483 : vector<16xi1>
      %parallel_loop3A_485 = arith.select %parallel_loop3A_484, %broadcast_in_dim3A_20, %parallel_loop3A_44 : vector<16xi1>, vector<16xf32>
      %parallel_loop3A_486 = arith.subf %parallel_loop3A_438, %parallel_loop3A_101 : vector<16xf32>
      %parallel_loop3A_487 = arith.subf %parallel_loop3A_445, %parallel_loop3A_105 : vector<16xf32>
      %parallel_loop3A_488 = arith.mulf %parallel_loop3A_486, %parallel_loop3A_486 : vector<16xf32>
      %parallel_loop3A_489 = arith.mulf %parallel_loop3A_487, %parallel_loop3A_487 : vector<16xf32>
      %parallel_loop3A_490 = arith.addf %parallel_loop3A_488, %parallel_loop3A_489 : vector<16xf32>
      %parallel_loop3A_491 = vector.bitcast %parallel_loop3A_490 : vector<16xf32> to vector<16xi32>
      %parallel_loop3A_492 = arith.constant 1 : i32
      %parallel_loop3A_493 = vector.broadcast %parallel_loop3A_492 : i32 to vector<16xi32>
      %parallel_loop3A_494 = arith.shrsi %parallel_loop3A_491, %parallel_loop3A_493 : vector<16xi32>
      %parallel_loop3A_495 = arith.constant 1597463007 : i32
      %parallel_loop3A_496 = vector.broadcast %parallel_loop3A_495 : i32 to vector<16xi32>
      %parallel_loop3A_497 = arith.subi %parallel_loop3A_496, %parallel_loop3A_494 : vector<16xi32>
      %parallel_loop3A_498 = vector.bitcast %parallel_loop3A_497 : vector<16xi32> to vector<16xf32>
      %parallel_loop3A_499 = arith.mulf %parallel_loop3A_490, %parallel_loop3A_498 : vector<16xf32>
      %parallel_loop3A_500 = arith.constant 5.000000e-01 : f32
      %parallel_loop3A_501 = vector.broadcast %parallel_loop3A_500 : f32 to vector<16xf32>
      %parallel_loop3A_502 = arith.mulf %parallel_loop3A_501, %parallel_loop3A_499 : vector<16xf32>
      %parallel_loop3A_503 = arith.mulf %parallel_loop3A_502, %parallel_loop3A_498 : vector<16xf32>
      %parallel_loop3A_504 = arith.constant 1.500000e+00 : f32
      %parallel_loop3A_505 = vector.broadcast %parallel_loop3A_504 : f32 to vector<16xf32>
      %parallel_loop3A_506 = arith.subf %parallel_loop3A_505, %parallel_loop3A_503 : vector<16xf32>
      %parallel_loop3A_507 = arith.mulf %parallel_loop3A_498, %parallel_loop3A_506 : vector<16xf32>
      %parallel_loop3A_508 = arith.mulf %parallel_loop3A_490, %parallel_loop3A_507 : vector<16xf32>
      %parallel_loop3A_509 = arith.constant 5.000000e-01 : f32
      %parallel_loop3A_510 = vector.broadcast %parallel_loop3A_509 : f32 to vector<16xf32>
      %parallel_loop3A_511 = arith.mulf %parallel_loop3A_510, %parallel_loop3A_508 : vector<16xf32>
      %parallel_loop3A_512 = arith.mulf %parallel_loop3A_511, %parallel_loop3A_507 : vector<16xf32>
      %parallel_loop3A_513 = arith.constant 1.500000e+00 : f32
      %parallel_loop3A_514 = vector.broadcast %parallel_loop3A_513 : f32 to vector<16xf32>
      %parallel_loop3A_515 = arith.subf %parallel_loop3A_514, %parallel_loop3A_512 : vector<16xf32>
      %parallel_loop3A_516 = arith.mulf %parallel_loop3A_507, %parallel_loop3A_515 : vector<16xf32>
      %parallel_loop3A_517 = arith.mulf %parallel_loop3A_490, %parallel_loop3A_516 : vector<16xf32>
      %parallel_loop3A_518 = arith.constant 5.000000e-01 : f32
      %parallel_loop3A_519 = vector.broadcast %parallel_loop3A_518 : f32 to vector<16xf32>
      %parallel_loop3A_520 = arith.mulf %parallel_loop3A_519, %parallel_loop3A_517 : vector<16xf32>
      %parallel_loop3A_521 = arith.mulf %parallel_loop3A_520, %parallel_loop3A_516 : vector<16xf32>
      %parallel_loop3A_522 = arith.constant 1.500000e+00 : f32
      %parallel_loop3A_523 = vector.broadcast %parallel_loop3A_522 : f32 to vector<16xf32>
      %parallel_loop3A_524 = arith.subf %parallel_loop3A_523, %parallel_loop3A_521 : vector<16xf32>
      %parallel_loop3A_525 = arith.mulf %parallel_loop3A_516, %parallel_loop3A_524 : vector<16xf32>
      %parallel_loop3A_526 = arith.mulf %parallel_loop3A_490, %parallel_loop3A_525 : vector<16xf32>
      %parallel_loop3A_527 = arith.constant 2.000000e-01 : f32
      %parallel_loop3A_528 = vector.broadcast %parallel_loop3A_527 : f32 to vector<16xf32>
      %parallel_loop3A_529 = arith.mulf %parallel_loop3A_528, %parallel_loop3A_526 : vector<16xf32>
      %parallel_loop3A_530 = arith.mulf %parallel_loop3A_529, %parallel_loop3A_485 : vector<16xf32>
      %parallel_loop3A_531 = arith.addf %parallel_loop3A_433, %parallel_loop3A_530 : vector<16xf32>
      %parallel_loop3A_532 = arith.addf %parallel_loop3A_434, %parallel_loop3A_485 : vector<16xf32>
      %parallel_loop3A_533 = arith.constant 8 : i32
      %parallel_loop3A_534 = vector.broadcast %parallel_loop3A_533 : i32 to vector<16xi32>
      %parallel_loop3A_535 = arith.addi %parallel_loop3A_140, %parallel_loop3A_534 : vector<16xi32>
      %parallel_loop3A_536 = tpu.vector_load_idx %arg6[%parallel_loop3A_535] : memref<2304xf32, #tpu.memory_space<vmem>>[vector<16xi32>], vector<16xf32>,
      %parallel_loop3A_537 = arith.constant 8 : i32
      %parallel_loop3A_538 = vector.broadcast %parallel_loop3A_537 : i32 to vector<16xi32>
      %parallel_loop3A_539 = arith.addi %parallel_loop3A_140, %parallel_loop3A_538 : vector<16xi32>
      %parallel_loop3A_540 = arith.constant 1 : i32
      %parallel_loop3A_541 = vector.broadcast %parallel_loop3A_540 : i32 to vector<16xi32>
      %parallel_loop3A_542 = arith.addi %parallel_loop3A_539, %parallel_loop3A_541 : vector<16xi32>
      %parallel_loop3A_543 = tpu.vector_load_idx %arg6[%parallel_loop3A_542] : memref<2304xf32, #tpu.memory_space<vmem>>[vector<16xi32>], vector<16xf32>,
      %parallel_loop3A_544 = arith.cmpf ogt, %parallel_loop3A_76, %parallel_loop3A_543 : vector<16xf32>
      %parallel_loop3A_545 = arith.cmpf ogt, %parallel_loop3A_97, %parallel_loop3A_543 : vector<16xf32>
      %parallel_loop3A_546 = arith.xori %parallel_loop3A_544, %parallel_loop3A_545 : vector<16xi1>
      %parallel_loop3A_547 = arith.subf %parallel_loop3A_543, %parallel_loop3A_76 : vector<16xf32>
      %parallel_loop3A_548 = arith.mulf %parallel_loop3A_113, %parallel_loop3A_547 : vector<16xf32>
      %parallel_loop3A_549 = arith.divf %parallel_loop3A_548, %parallel_loop3A_112 : vector<16xf32>
      %parallel_loop3A_550 = arith.addf %parallel_loop3A_549, %parallel_loop3A_57 : vector<16xf32>
      %parallel_loop3A_551 = arith.cmpf olt, %parallel_loop3A_536, %parallel_loop3A_550 : vector<16xf32>
      %parallel_loop3A_552 = arith.andi %parallel_loop3A_546, %parallel_loop3A_551 : vector<16xi1>
      %parallel_loop3A_553 = arith.cmpf ogt, %parallel_loop3A_83, %parallel_loop3A_543 : vector<16xf32>
      %parallel_loop3A_554 = arith.cmpf ogt, %parallel_loop3A_76, %parallel_loop3A_543 : vector<16xf32>
      %parallel_loop3A_555 = arith.xori %parallel_loop3A_553, %parallel_loop3A_554 : vector<16xi1>
      %parallel_loop3A_556 = arith.subf %parallel_loop3A_543, %parallel_loop3A_83 : vector<16xf32>
      %parallel_loop3A_557 = arith.mulf %parallel_loop3A_121, %parallel_loop3A_556 : vector<16xf32>
      %parallel_loop3A_558 = arith.divf %parallel_loop3A_557, %parallel_loop3A_120 : vector<16xf32>
      %parallel_loop3A_559 = arith.addf %parallel_loop3A_558, %parallel_loop3A_61 : vector<16xf32>
      %parallel_loop3A_560 = arith.cmpf olt, %parallel_loop3A_536, %parallel_loop3A_559 : vector<16xf32>
      %parallel_loop3A_561 = arith.andi %parallel_loop3A_555, %parallel_loop3A_560 : vector<16xi1>
      %parallel_loop3A_562 = arith.xori %parallel_loop3A_552, %parallel_loop3A_561 : vector<16xi1>
      %parallel_loop3A_563 = arith.cmpf ogt, %parallel_loop3A_90, %parallel_loop3A_543 : vector<16xf32>
      %parallel_loop3A_564 = arith.cmpf ogt, %parallel_loop3A_83, %parallel_loop3A_543 : vector<16xf32>
      %parallel_loop3A_565 = arith.xori %parallel_loop3A_563, %parallel_loop3A_564 : vector<16xi1>
      %parallel_loop3A_566 = arith.subf %parallel_loop3A_543, %parallel_loop3A_90 : vector<16xf32>
      %parallel_loop3A_567 = arith.mulf %parallel_loop3A_129, %parallel_loop3A_566 : vector<16xf32>
      %parallel_loop3A_568 = arith.divf %parallel_loop3A_567, %parallel_loop3A_128 : vector<16xf32>
      %parallel_loop3A_569 = arith.addf %parallel_loop3A_568, %parallel_loop3A_65 : vector<16xf32>
      %parallel_loop3A_570 = arith.cmpf olt, %parallel_loop3A_536, %parallel_loop3A_569 : vector<16xf32>
      %parallel_loop3A_571 = arith.andi %parallel_loop3A_565, %parallel_loop3A_570 : vector<16xi1>
      %parallel_loop3A_572 = arith.xori %parallel_loop3A_562, %parallel_loop3A_571 : vector<16xi1>
      %parallel_loop3A_573 = arith.cmpf ogt, %parallel_loop3A_97, %parallel_loop3A_543 : vector<16xf32>
      %parallel_loop3A_574 = arith.cmpf ogt, %parallel_loop3A_90, %parallel_loop3A_543 : vector<16xf32>
      %parallel_loop3A_575 = arith.xori %parallel_loop3A_573, %parallel_loop3A_574 : vector<16xi1>
      %parallel_loop3A_576 = arith.subf %parallel_loop3A_543, %parallel_loop3A_97 : vector<16xf32>
      %parallel_loop3A_577 = arith.mulf %parallel_loop3A_137, %parallel_loop3A_576 : vector<16xf32>
      %parallel_loop3A_578 = arith.divf %parallel_loop3A_577, %parallel_loop3A_136 : vector<16xf32>
      %parallel_loop3A_579 = arith.addf %parallel_loop3A_578, %parallel_loop3A_69 : vector<16xf32>
      %parallel_loop3A_580 = arith.cmpf olt, %parallel_loop3A_536, %parallel_loop3A_579 : vector<16xf32>
      %parallel_loop3A_581 = arith.andi %parallel_loop3A_575, %parallel_loop3A_580 : vector<16xi1>
      %parallel_loop3A_582 = arith.xori %parallel_loop3A_572, %parallel_loop3A_581 : vector<16xi1>
      %parallel_loop3A_583 = arith.select %parallel_loop3A_582, %broadcast_in_dim3A_20, %parallel_loop3A_44 : vector<16xi1>, vector<16xf32>
      %parallel_loop3A_584 = arith.subf %parallel_loop3A_536, %parallel_loop3A_101 : vector<16xf32>
      %parallel_loop3A_585 = arith.subf %parallel_loop3A_543, %parallel_loop3A_105 : vector<16xf32>
      %parallel_loop3A_586 = arith.mulf %parallel_loop3A_584, %parallel_loop3A_584 : vector<16xf32>
      %parallel_loop3A_587 = arith.mulf %parallel_loop3A_585, %parallel_loop3A_585 : vector<16xf32>
      %parallel_loop3A_588 = arith.addf %parallel_loop3A_586, %parallel_loop3A_587 : vector<16xf32>
      %parallel_loop3A_589 = vector.bitcast %parallel_loop3A_588 : vector<16xf32> to vector<16xi32>
      %parallel_loop3A_590 = arith.constant 1 : i32
      %parallel_loop3A_591 = vector.broadcast %parallel_loop3A_590 : i32 to vector<16xi32>
      %parallel_loop3A_592 = arith.shrsi %parallel_loop3A_589, %parallel_loop3A_591 : vector<16xi32>
      %parallel_loop3A_593 = arith.constant 1597463007 : i32
      %parallel_loop3A_594 = vector.broadcast %parallel_loop3A_593 : i32 to vector<16xi32>
      %parallel_loop3A_595 = arith.subi %parallel_loop3A_594, %parallel_loop3A_592 : vector<16xi32>
      %parallel_loop3A_596 = vector.bitcast %parallel_loop3A_595 : vector<16xi32> to vector<16xf32>
      %parallel_loop3A_597 = arith.mulf %parallel_loop3A_588, %parallel_loop3A_596 : vector<16xf32>
      %parallel_loop3A_598 = arith.constant 5.000000e-01 : f32
      %parallel_loop3A_599 = vector.broadcast %parallel_loop3A_598 : f32 to vector<16xf32>
      %parallel_loop3A_600 = arith.mulf %parallel_loop3A_599, %parallel_loop3A_597 : vector<16xf32>
      %parallel_loop3A_601 = arith.mulf %parallel_loop3A_600, %parallel_loop3A_596 : vector<16xf32>
      %parallel_loop3A_602 = arith.constant 1.500000e+00 : f32
      %parallel_loop3A_603 = vector.broadcast %parallel_loop3A_602 : f32 to vector<16xf32>
      %parallel_loop3A_604 = arith.subf %parallel_loop3A_603, %parallel_loop3A_601 : vector<16xf32>
      %parallel_loop3A_605 = arith.mulf %parallel_loop3A_596, %parallel_loop3A_604 : vector<16xf32>
      %parallel_loop3A_606 = arith.mulf %parallel_loop3A_588, %parallel_loop3A_605 : vector<16xf32>
      %parallel_loop3A_607 = arith.constant 5.000000e-01 : f32
      %parallel_loop3A_608 = vector.broadcast %parallel_loop3A_607 : f32 to vector<16xf32>
      %parallel_loop3A_609 = arith.mulf %parallel_loop3A_608, %parallel_loop3A_606 : vector<16xf32>
      %parallel_loop3A_610 = arith.mulf %parallel_loop3A_609, %parallel_loop3A_605 : vector<16xf32>
      %parallel_loop3A_611 = arith.constant 1.500000e+00 : f32
      %parallel_loop3A_612 = vector.broadcast %parallel_loop3A_611 : f32 to vector<16xf32>
      %parallel_loop3A_613 = arith.subf %parallel_loop3A_612, %parallel_loop3A_610 : vector<16xf32>
      %parallel_loop3A_614 = arith.mulf %parallel_loop3A_605, %parallel_loop3A_613 : vector<16xf32>
      %parallel_loop3A_615 = arith.mulf %parallel_loop3A_588, %parallel_loop3A_614 : vector<16xf32>
      %parallel_loop3A_616 = arith.constant 5.000000e-01 : f32
      %parallel_loop3A_617 = vector.broadcast %parallel_loop3A_616 : f32 to vector<16xf32>
      %parallel_loop3A_618 = arith.mulf %parallel_loop3A_617, %parallel_loop3A_615 : vector<16xf32>
      %parallel_loop3A_619 = arith.mulf %parallel_loop3A_618, %parallel_loop3A_614 : vector<16xf32>
      %parallel_loop3A_620 = arith.constant 1.500000e+00 : f32
      %parallel_loop3A_621 = vector.broadcast %parallel_loop3A_620 : f32 to vector<16xf32>
      %parallel_loop3A_622 = arith.subf %parallel_loop3A_621, %parallel_loop3A_619 : vector<16xf32>
      %parallel_loop3A_623 = arith.mulf %parallel_loop3A_614, %parallel_loop3A_622 : vector<16xf32>
      %parallel_loop3A_624 = arith.mulf %parallel_loop3A_588, %parallel_loop3A_623 : vector<16xf32>
      %parallel_loop3A_625 = arith.constant 2.000000e-01 : f32
      %parallel_loop3A_626 = vector.broadcast %parallel_loop3A_625 : f32 to vector<16xf32>
      %parallel_loop3A_627 = arith.mulf %parallel_loop3A_626, %parallel_loop3A_624 : vector<16xf32>
      %parallel_loop3A_628 = arith.mulf %parallel_loop3A_627, %parallel_loop3A_583 : vector<16xf32>
      %parallel_loop3A_629 = arith.addf %parallel_loop3A_531, %parallel_loop3A_628 : vector<16xf32>
      %parallel_loop3A_630 = arith.addf %parallel_loop3A_532, %parallel_loop3A_583 : vector<16xf32>
      %parallel_loop3A_631 = arith.constant 10 : i32
      %parallel_loop3A_632 = vector.broadcast %parallel_loop3A_631 : i32 to vector<16xi32>
      %parallel_loop3A_633 = arith.addi %parallel_loop3A_140, %parallel_loop3A_632 : vector<16xi32>
      %parallel_loop3A_634 = tpu.vector_load_idx %arg6[%parallel_loop3A_633] : memref<2304xf32, #tpu.memory_space<vmem>>[vector<16xi32>], vector<16xf32>,
      %parallel_loop3A_635 = arith.constant 10 : i32
      %parallel_loop3A_636 = vector.broadcast %parallel_loop3A_635 : i32 to vector<16xi32>
      %parallel_loop3A_637 = arith.addi %parallel_loop3A_140, %parallel_loop3A_636 : vector<16xi32>
      %parallel_loop3A_638 = arith.constant 1 : i32
      %parallel_loop3A_639 = vector.broadcast %parallel_loop3A_638 : i32 to vector<16xi32>
      %parallel_loop3A_640 = arith.addi %parallel_loop3A_637, %parallel_loop3A_639 : vector<16xi32>
      %parallel_loop3A_641 = tpu.vector_load_idx %arg6[%parallel_loop3A_640] : memref<2304xf32, #tpu.memory_space<vmem>>[vector<16xi32>], vector<16xf32>,
      %parallel_loop3A_642 = arith.cmpf ogt, %parallel_loop3A_76, %parallel_loop3A_641 : vector<16xf32>
      %parallel_loop3A_643 = arith.cmpf ogt, %parallel_loop3A_97, %parallel_loop3A_641 : vector<16xf32>
      %parallel_loop3A_644 = arith.xori %parallel_loop3A_642, %parallel_loop3A_643 : vector<16xi1>
      %parallel_loop3A_645 = arith.subf %parallel_loop3A_641, %parallel_loop3A_76 : vector<16xf32>
      %parallel_loop3A_646 = arith.mulf %parallel_loop3A_113, %parallel_loop3A_645 : vector<16xf32>
      %parallel_loop3A_647 = arith.divf %parallel_loop3A_646, %parallel_loop3A_112 : vector<16xf32>
      %parallel_loop3A_648 = arith.addf %parallel_loop3A_647, %parallel_loop3A_57 : vector<16xf32>
      %parallel_loop3A_649 = arith.cmpf olt, %parallel_loop3A_634, %parallel_loop3A_648 : vector<16xf32>
      %parallel_loop3A_650 = arith.andi %parallel_loop3A_644, %parallel_loop3A_649 : vector<16xi1>
      %parallel_loop3A_651 = arith.cmpf ogt, %parallel_loop3A_83, %parallel_loop3A_641 : vector<16xf32>
      %parallel_loop3A_652 = arith.cmpf ogt, %parallel_loop3A_76, %parallel_loop3A_641 : vector<16xf32>
      %parallel_loop3A_653 = arith.xori %parallel_loop3A_651, %parallel_loop3A_652 : vector<16xi1>
      %parallel_loop3A_654 = arith.subf %parallel_loop3A_641, %parallel_loop3A_83 : vector<16xf32>
      %parallel_loop3A_655 = arith.mulf %parallel_loop3A_121, %parallel_loop3A_654 : vector<16xf32>
      %parallel_loop3A_656 = arith.divf %parallel_loop3A_655, %parallel_loop3A_120 : vector<16xf32>
      %parallel_loop3A_657 = arith.addf %parallel_loop3A_656, %parallel_loop3A_61 : vector<16xf32>
      %parallel_loop3A_658 = arith.cmpf olt, %parallel_loop3A_634, %parallel_loop3A_657 : vector<16xf32>
      %parallel_loop3A_659 = arith.andi %parallel_loop3A_653, %parallel_loop3A_658 : vector<16xi1>
      %parallel_loop3A_660 = arith.xori %parallel_loop3A_650, %parallel_loop3A_659 : vector<16xi1>
      %parallel_loop3A_661 = arith.cmpf ogt, %parallel_loop3A_90, %parallel_loop3A_641 : vector<16xf32>
      %parallel_loop3A_662 = arith.cmpf ogt, %parallel_loop3A_83, %parallel_loop3A_641 : vector<16xf32>
      %parallel_loop3A_663 = arith.xori %parallel_loop3A_661, %parallel_loop3A_662 : vector<16xi1>
      %parallel_loop3A_664 = arith.subf %parallel_loop3A_641, %parallel_loop3A_90 : vector<16xf32>
      %parallel_loop3A_665 = arith.mulf %parallel_loop3A_129, %parallel_loop3A_664 : vector<16xf32>
      %parallel_loop3A_666 = arith.divf %parallel_loop3A_665, %parallel_loop3A_128 : vector<16xf32>
      %parallel_loop3A_667 = arith.addf %parallel_loop3A_666, %parallel_loop3A_65 : vector<16xf32>
      %parallel_loop3A_668 = arith.cmpf olt, %parallel_loop3A_634, %parallel_loop3A_667 : vector<16xf32>
      %parallel_loop3A_669 = arith.andi %parallel_loop3A_663, %parallel_loop3A_668 : vector<16xi1>
      %parallel_loop3A_670 = arith.xori %parallel_loop3A_660, %parallel_loop3A_669 : vector<16xi1>
      %parallel_loop3A_671 = arith.cmpf ogt, %parallel_loop3A_97, %parallel_loop3A_641 : vector<16xf32>
      %parallel_loop3A_672 = arith.cmpf ogt, %parallel_loop3A_90, %parallel_loop3A_641 : vector<16xf32>
      %parallel_loop3A_673 = arith.xori %parallel_loop3A_671, %parallel_loop3A_672 : vector<16xi1>
      %parallel_loop3A_674 = arith.subf %parallel_loop3A_641, %parallel_loop3A_97 : vector<16xf32>
      %parallel_loop3A_675 = arith.mulf %parallel_loop3A_137, %parallel_loop3A_674 : vector<16xf32>
      %parallel_loop3A_676 = arith.divf %parallel_loop3A_675, %parallel_loop3A_136 : vector<16xf32>
      %parallel_loop3A_677 = arith.addf %parallel_loop3A_676, %parallel_loop3A_69 : vector<16xf32>
      %parallel_loop3A_678 = arith.cmpf olt, %parallel_loop3A_634, %parallel_loop3A_677 : vector<16xf32>
      %parallel_loop3A_679 = arith.andi %parallel_loop3A_673, %parallel_loop3A_678 : vector<16xi1>
      %parallel_loop3A_680 = arith.xori %parallel_loop3A_670, %parallel_loop3A_679 : vector<16xi1>
      %parallel_loop3A_681 = arith.select %parallel_loop3A_680, %broadcast_in_dim3A_20, %parallel_loop3A_44 : vector<16xi1>, vector<16xf32>
      %parallel_loop3A_682 = arith.subf %parallel_loop3A_634, %parallel_loop3A_101 : vector<16xf32>
      %parallel_loop3A_683 = arith.subf %parallel_loop3A_641, %parallel_loop3A_105 : vector<16xf32>
      %parallel_loop3A_684 = arith.mulf %parallel_loop3A_682, %parallel_loop3A_682 : vector<16xf32>
      %parallel_loop3A_685 = arith.mulf %parallel_loop3A_683, %parallel_loop3A_683 : vector<16xf32>
      %parallel_loop3A_686 = arith.addf %parallel_loop3A_684, %parallel_loop3A_685 : vector<16xf32>
      %parallel_loop3A_687 = vector.bitcast %parallel_loop3A_686 : vector<16xf32> to vector<16xi32>
      %parallel_loop3A_688 = arith.constant 1 : i32
      %parallel_loop3A_689 = vector.broadcast %parallel_loop3A_688 : i32 to vector<16xi32>
      %parallel_loop3A_690 = arith.shrsi %parallel_loop3A_687, %parallel_loop3A_689 : vector<16xi32>
      %parallel_loop3A_691 = arith.constant 1597463007 : i32
      %parallel_loop3A_692 = vector.broadcast %parallel_loop3A_691 : i32 to vector<16xi32>
      %parallel_loop3A_693 = arith.subi %parallel_loop3A_692, %parallel_loop3A_690 : vector<16xi32>
      %parallel_loop3A_694 = vector.bitcast %parallel_loop3A_693 : vector<16xi32> to vector<16xf32>
      %parallel_loop3A_695 = arith.mulf %parallel_loop3A_686, %parallel_loop3A_694 : vector<16xf32>
      %parallel_loop3A_696 = arith.constant 5.000000e-01 : f32
      %parallel_loop3A_697 = vector.broadcast %parallel_loop3A_696 : f32 to vector<16xf32>
      %parallel_loop3A_698 = arith.mulf %parallel_loop3A_697, %parallel_loop3A_695 : vector<16xf32>
      %parallel_loop3A_699 = arith.mulf %parallel_loop3A_698, %parallel_loop3A_694 : vector<16xf32>
      %parallel_loop3A_700 = arith.constant 1.500000e+00 : f32
      %parallel_loop3A_701 = vector.broadcast %parallel_loop3A_700 : f32 to vector<16xf32>
      %parallel_loop3A_702 = arith.subf %parallel_loop3A_701, %parallel_loop3A_699 : vector<16xf32>
      %parallel_loop3A_703 = arith.mulf %parallel_loop3A_694, %parallel_loop3A_702 : vector<16xf32>
      %parallel_loop3A_704 = arith.mulf %parallel_loop3A_686, %parallel_loop3A_703 : vector<16xf32>
      %parallel_loop3A_705 = arith.constant 5.000000e-01 : f32
      %parallel_loop3A_706 = vector.broadcast %parallel_loop3A_705 : f32 to vector<16xf32>
      %parallel_loop3A_707 = arith.mulf %parallel_loop3A_706, %parallel_loop3A_704 : vector<16xf32>
      %parallel_loop3A_708 = arith.mulf %parallel_loop3A_707, %parallel_loop3A_703 : vector<16xf32>
      %parallel_loop3A_709 = arith.constant 1.500000e+00 : f32
      %parallel_loop3A_710 = vector.broadcast %parallel_loop3A_709 : f32 to vector<16xf32>
      %parallel_loop3A_711 = arith.subf %parallel_loop3A_710, %parallel_loop3A_708 : vector<16xf32>
      %parallel_loop3A_712 = arith.mulf %parallel_loop3A_703, %parallel_loop3A_711 : vector<16xf32>
      %parallel_loop3A_713 = arith.mulf %parallel_loop3A_686, %parallel_loop3A_712 : vector<16xf32>
      %parallel_loop3A_714 = arith.constant 5.000000e-01 : f32
      %parallel_loop3A_715 = vector.broadcast %parallel_loop3A_714 : f32 to vector<16xf32>
      %parallel_loop3A_716 = arith.mulf %parallel_loop3A_715, %parallel_loop3A_713 : vector<16xf32>
      %parallel_loop3A_717 = arith.mulf %parallel_loop3A_716, %parallel_loop3A_712 : vector<16xf32>
      %parallel_loop3A_718 = arith.constant 1.500000e+00 : f32
      %parallel_loop3A_719 = vector.broadcast %parallel_loop3A_718 : f32 to vector<16xf32>
      %parallel_loop3A_720 = arith.subf %parallel_loop3A_719, %parallel_loop3A_717 : vector<16xf32>
      %parallel_loop3A_721 = arith.mulf %parallel_loop3A_712, %parallel_loop3A_720 : vector<16xf32>
      %parallel_loop3A_722 = arith.mulf %parallel_loop3A_686, %parallel_loop3A_721 : vector<16xf32>
      %parallel_loop3A_723 = arith.constant 2.000000e-01 : f32
      %parallel_loop3A_724 = vector.broadcast %parallel_loop3A_723 : f32 to vector<16xf32>
      %parallel_loop3A_725 = arith.mulf %parallel_loop3A_724, %parallel_loop3A_722 : vector<16xf32>
      %parallel_loop3A_726 = arith.mulf %parallel_loop3A_725, %parallel_loop3A_681 : vector<16xf32>
      %parallel_loop3A_727 = arith.addf %parallel_loop3A_629, %parallel_loop3A_726 : vector<16xf32>
      %parallel_loop3A_728 = arith.addf %parallel_loop3A_630, %parallel_loop3A_681 : vector<16xf32>
      %parallel_loop3A_729 = arith.constant 12 : i32
      %parallel_loop3A_730 = vector.broadcast %parallel_loop3A_729 : i32 to vector<16xi32>
      %parallel_loop3A_731 = arith.addi %parallel_loop3A_140, %parallel_loop3A_730 : vector<16xi32>
      %parallel_loop3A_732 = tpu.vector_load_idx %arg6[%parallel_loop3A_731] : memref<2304xf32, #tpu.memory_space<vmem>>[vector<16xi32>], vector<16xf32>,
      %parallel_loop3A_733 = arith.constant 12 : i32
      %parallel_loop3A_734 = vector.broadcast %parallel_loop3A_733 : i32 to vector<16xi32>
      %parallel_loop3A_735 = arith.addi %parallel_loop3A_140, %parallel_loop3A_734 : vector<16xi32>
      %parallel_loop3A_736 = arith.constant 1 : i32
      %parallel_loop3A_737 = vector.broadcast %parallel_loop3A_736 : i32 to vector<16xi32>
      %parallel_loop3A_738 = arith.addi %parallel_loop3A_735, %parallel_loop3A_737 : vector<16xi32>
      %parallel_loop3A_739 = tpu.vector_load_idx %arg6[%parallel_loop3A_738] : memref<2304xf32, #tpu.memory_space<vmem>>[vector<16xi32>], vector<16xf32>,
      %parallel_loop3A_740 = arith.cmpf ogt, %parallel_loop3A_76, %parallel_loop3A_739 : vector<16xf32>
      %parallel_loop3A_741 = arith.cmpf ogt, %parallel_loop3A_97, %parallel_loop3A_739 : vector<16xf32>
      %parallel_loop3A_742 = arith.xori %parallel_loop3A_740, %parallel_loop3A_741 : vector<16xi1>
      %parallel_loop3A_743 = arith.subf %parallel_loop3A_739, %parallel_loop3A_76 : vector<16xf32>
      %parallel_loop3A_744 = arith.mulf %parallel_loop3A_113, %parallel_loop3A_743 : vector<16xf32>
      %parallel_loop3A_745 = arith.divf %parallel_loop3A_744, %parallel_loop3A_112 : vector<16xf32>
      %parallel_loop3A_746 = arith.addf %parallel_loop3A_745, %parallel_loop3A_57 : vector<16xf32>
      %parallel_loop3A_747 = arith.cmpf olt, %parallel_loop3A_732, %parallel_loop3A_746 : vector<16xf32>
      %parallel_loop3A_748 = arith.andi %parallel_loop3A_742, %parallel_loop3A_747 : vector<16xi1>
      %parallel_loop3A_749 = arith.cmpf ogt, %parallel_loop3A_83, %parallel_loop3A_739 : vector<16xf32>
      %parallel_loop3A_750 = arith.cmpf ogt, %parallel_loop3A_76, %parallel_loop3A_739 : vector<16xf32>
      %parallel_loop3A_751 = arith.xori %parallel_loop3A_749, %parallel_loop3A_750 : vector<16xi1>
      %parallel_loop3A_752 = arith.subf %parallel_loop3A_739, %parallel_loop3A_83 : vector<16xf32>
      %parallel_loop3A_753 = arith.mulf %parallel_loop3A_121, %parallel_loop3A_752 : vector<16xf32>
      %parallel_loop3A_754 = arith.divf %parallel_loop3A_753, %parallel_loop3A_120 : vector<16xf32>
      %parallel_loop3A_755 = arith.addf %parallel_loop3A_754, %parallel_loop3A_61 : vector<16xf32>
      %parallel_loop3A_756 = arith.cmpf olt, %parallel_loop3A_732, %parallel_loop3A_755 : vector<16xf32>
      %parallel_loop3A_757 = arith.andi %parallel_loop3A_751, %parallel_loop3A_756 : vector<16xi1>
      %parallel_loop3A_758 = arith.xori %parallel_loop3A_748, %parallel_loop3A_757 : vector<16xi1>
      %parallel_loop3A_759 = arith.cmpf ogt, %parallel_loop3A_90, %parallel_loop3A_739 : vector<16xf32>
      %parallel_loop3A_760 = arith.cmpf ogt, %parallel_loop3A_83, %parallel_loop3A_739 : vector<16xf32>
      %parallel_loop3A_761 = arith.xori %parallel_loop3A_759, %parallel_loop3A_760 : vector<16xi1>
      %parallel_loop3A_762 = arith.subf %parallel_loop3A_739, %parallel_loop3A_90 : vector<16xf32>
      %parallel_loop3A_763 = arith.mulf %parallel_loop3A_129, %parallel_loop3A_762 : vector<16xf32>
      %parallel_loop3A_764 = arith.divf %parallel_loop3A_763, %parallel_loop3A_128 : vector<16xf32>
      %parallel_loop3A_765 = arith.addf %parallel_loop3A_764, %parallel_loop3A_65 : vector<16xf32>
      %parallel_loop3A_766 = arith.cmpf olt, %parallel_loop3A_732, %parallel_loop3A_765 : vector<16xf32>
      %parallel_loop3A_767 = arith.andi %parallel_loop3A_761, %parallel_loop3A_766 : vector<16xi1>
      %parallel_loop3A_768 = arith.xori %parallel_loop3A_758, %parallel_loop3A_767 : vector<16xi1>
      %parallel_loop3A_769 = arith.cmpf ogt, %parallel_loop3A_97, %parallel_loop3A_739 : vector<16xf32>
      %parallel_loop3A_770 = arith.cmpf ogt, %parallel_loop3A_90, %parallel_loop3A_739 : vector<16xf32>
      %parallel_loop3A_771 = arith.xori %parallel_loop3A_769, %parallel_loop3A_770 : vector<16xi1>
      %parallel_loop3A_772 = arith.subf %parallel_loop3A_739, %parallel_loop3A_97 : vector<16xf32>
      %parallel_loop3A_773 = arith.mulf %parallel_loop3A_137, %parallel_loop3A_772 : vector<16xf32>
      %parallel_loop3A_774 = arith.divf %parallel_loop3A_773, %parallel_loop3A_136 : vector<16xf32>
      %parallel_loop3A_775 = arith.addf %parallel_loop3A_774, %parallel_loop3A_69 : vector<16xf32>
      %parallel_loop3A_776 = arith.cmpf olt, %parallel_loop3A_732, %parallel_loop3A_775 : vector<16xf32>
      %parallel_loop3A_777 = arith.andi %parallel_loop3A_771, %parallel_loop3A_776 : vector<16xi1>
      %parallel_loop3A_778 = arith.xori %parallel_loop3A_768, %parallel_loop3A_777 : vector<16xi1>
      %parallel_loop3A_779 = arith.select %parallel_loop3A_778, %broadcast_in_dim3A_20, %parallel_loop3A_44 : vector<16xi1>, vector<16xf32>
      %parallel_loop3A_780 = arith.subf %parallel_loop3A_732, %parallel_loop3A_101 : vector<16xf32>
      %parallel_loop3A_781 = arith.subf %parallel_loop3A_739, %parallel_loop3A_105 : vector<16xf32>
      %parallel_loop3A_782 = arith.mulf %parallel_loop3A_780, %parallel_loop3A_780 : vector<16xf32>
      %parallel_loop3A_783 = arith.mulf %parallel_loop3A_781, %parallel_loop3A_781 : vector<16xf32>
      %parallel_loop3A_784 = arith.addf %parallel_loop3A_782, %parallel_loop3A_783 : vector<16xf32>
      %parallel_loop3A_785 = vector.bitcast %parallel_loop3A_784 : vector<16xf32> to vector<16xi32>
      %parallel_loop3A_786 = arith.constant 1 : i32
      %parallel_loop3A_787 = vector.broadcast %parallel_loop3A_786 : i32 to vector<16xi32>
      %parallel_loop3A_788 = arith.shrsi %parallel_loop3A_785, %parallel_loop3A_787 : vector<16xi32>
      %parallel_loop3A_789 = arith.constant 1597463007 : i32
      %parallel_loop3A_790 = vector.broadcast %parallel_loop3A_789 : i32 to vector<16xi32>
      %parallel_loop3A_791 = arith.subi %parallel_loop3A_790, %parallel_loop3A_788 : vector<16xi32>
      %parallel_loop3A_792 = vector.bitcast %parallel_loop3A_791 : vector<16xi32> to vector<16xf32>
      %parallel_loop3A_793 = arith.mulf %parallel_loop3A_784, %parallel_loop3A_792 : vector<16xf32>
      %parallel_loop3A_794 = arith.constant 5.000000e-01 : f32
      %parallel_loop3A_795 = vector.broadcast %parallel_loop3A_794 : f32 to vector<16xf32>
      %parallel_loop3A_796 = arith.mulf %parallel_loop3A_795, %parallel_loop3A_793 : vector<16xf32>
      %parallel_loop3A_797 = arith.mulf %parallel_loop3A_796, %parallel_loop3A_792 : vector<16xf32>
      %parallel_loop3A_798 = arith.constant 1.500000e+00 : f32
      %parallel_loop3A_799 = vector.broadcast %parallel_loop3A_798 : f32 to vector<16xf32>
      %parallel_loop3A_800 = arith.subf %parallel_loop3A_799, %parallel_loop3A_797 : vector<16xf32>
      %parallel_loop3A_801 = arith.mulf %parallel_loop3A_792, %parallel_loop3A_800 : vector<16xf32>
      %parallel_loop3A_802 = arith.mulf %parallel_loop3A_784, %parallel_loop3A_801 : vector<16xf32>
      %parallel_loop3A_803 = arith.constant 5.000000e-01 : f32
      %parallel_loop3A_804 = vector.broadcast %parallel_loop3A_803 : f32 to vector<16xf32>
      %parallel_loop3A_805 = arith.mulf %parallel_loop3A_804, %parallel_loop3A_802 : vector<16xf32>
      %parallel_loop3A_806 = arith.mulf %parallel_loop3A_805, %parallel_loop3A_801 : vector<16xf32>
      %parallel_loop3A_807 = arith.constant 1.500000e+00 : f32
      %parallel_loop3A_808 = vector.broadcast %parallel_loop3A_807 : f32 to vector<16xf32>
      %parallel_loop3A_809 = arith.subf %parallel_loop3A_808, %parallel_loop3A_806 : vector<16xf32>
      %parallel_loop3A_810 = arith.mulf %parallel_loop3A_801, %parallel_loop3A_809 : vector<16xf32>
      %parallel_loop3A_811 = arith.mulf %parallel_loop3A_784, %parallel_loop3A_810 : vector<16xf32>
      %parallel_loop3A_812 = arith.constant 5.000000e-01 : f32
      %parallel_loop3A_813 = vector.broadcast %parallel_loop3A_812 : f32 to vector<16xf32>
      %parallel_loop3A_814 = arith.mulf %parallel_loop3A_813, %parallel_loop3A_811 : vector<16xf32>
      %parallel_loop3A_815 = arith.mulf %parallel_loop3A_814, %parallel_loop3A_810 : vector<16xf32>
      %parallel_loop3A_816 = arith.constant 1.500000e+00 : f32
      %parallel_loop3A_817 = vector.broadcast %parallel_loop3A_816 : f32 to vector<16xf32>
      %parallel_loop3A_818 = arith.subf %parallel_loop3A_817, %parallel_loop3A_815 : vector<16xf32>
      %parallel_loop3A_819 = arith.mulf %parallel_loop3A_810, %parallel_loop3A_818 : vector<16xf32>
      %parallel_loop3A_820 = arith.mulf %parallel_loop3A_784, %parallel_loop3A_819 : vector<16xf32>
      %parallel_loop3A_821 = arith.constant 2.000000e-01 : f32
      %parallel_loop3A_822 = vector.broadcast %parallel_loop3A_821 : f32 to vector<16xf32>
      %parallel_loop3A_823 = arith.mulf %parallel_loop3A_822, %parallel_loop3A_820 : vector<16xf32>
      %parallel_loop3A_824 = arith.mulf %parallel_loop3A_823, %parallel_loop3A_779 : vector<16xf32>
      %parallel_loop3A_825 = arith.addf %parallel_loop3A_727, %parallel_loop3A_824 : vector<16xf32>
      %parallel_loop3A_826 = arith.addf %parallel_loop3A_728, %parallel_loop3A_779 : vector<16xf32>
      %parallel_loop3A_827 = arith.constant 14 : i32
      %parallel_loop3A_828 = vector.broadcast %parallel_loop3A_827 : i32 to vector<16xi32>
      %parallel_loop3A_829 = arith.addi %parallel_loop3A_140, %parallel_loop3A_828 : vector<16xi32>
      %parallel_loop3A_830 = tpu.vector_load_idx %arg6[%parallel_loop3A_829] : memref<2304xf32, #tpu.memory_space<vmem>>[vector<16xi32>], vector<16xf32>,
      %parallel_loop3A_831 = arith.constant 14 : i32
      %parallel_loop3A_832 = vector.broadcast %parallel_loop3A_831 : i32 to vector<16xi32>
      %parallel_loop3A_833 = arith.addi %parallel_loop3A_140, %parallel_loop3A_832 : vector<16xi32>
      %parallel_loop3A_834 = arith.constant 1 : i32
      %parallel_loop3A_835 = vector.broadcast %parallel_loop3A_834 : i32 to vector<16xi32>
      %parallel_loop3A_836 = arith.addi %parallel_loop3A_833, %parallel_loop3A_835 : vector<16xi32>
      %parallel_loop3A_837 = tpu.vector_load_idx %arg6[%parallel_loop3A_836] : memref<2304xf32, #tpu.memory_space<vmem>>[vector<16xi32>], vector<16xf32>,
      %parallel_loop3A_838 = arith.cmpf ogt, %parallel_loop3A_76, %parallel_loop3A_837 : vector<16xf32>
      %parallel_loop3A_839 = arith.cmpf ogt, %parallel_loop3A_97, %parallel_loop3A_837 : vector<16xf32>
      %parallel_loop3A_840 = arith.xori %parallel_loop3A_838, %parallel_loop3A_839 : vector<16xi1>
      %parallel_loop3A_841 = arith.subf %parallel_loop3A_837, %parallel_loop3A_76 : vector<16xf32>
      %parallel_loop3A_842 = arith.mulf %parallel_loop3A_113, %parallel_loop3A_841 : vector<16xf32>
      %parallel_loop3A_843 = arith.divf %parallel_loop3A_842, %parallel_loop3A_112 : vector<16xf32>
      %parallel_loop3A_844 = arith.addf %parallel_loop3A_843, %parallel_loop3A_57 : vector<16xf32>
      %parallel_loop3A_845 = arith.cmpf olt, %parallel_loop3A_830, %parallel_loop3A_844 : vector<16xf32>
      %parallel_loop3A_846 = arith.andi %parallel_loop3A_840, %parallel_loop3A_845 : vector<16xi1>
      %parallel_loop3A_847 = arith.cmpf ogt, %parallel_loop3A_83, %parallel_loop3A_837 : vector<16xf32>
      %parallel_loop3A_848 = arith.cmpf ogt, %parallel_loop3A_76, %parallel_loop3A_837 : vector<16xf32>
      %parallel_loop3A_849 = arith.xori %parallel_loop3A_847, %parallel_loop3A_848 : vector<16xi1>
      %parallel_loop3A_850 = arith.subf %parallel_loop3A_837, %parallel_loop3A_83 : vector<16xf32>
      %parallel_loop3A_851 = arith.mulf %parallel_loop3A_121, %parallel_loop3A_850 : vector<16xf32>
      %parallel_loop3A_852 = arith.divf %parallel_loop3A_851, %parallel_loop3A_120 : vector<16xf32>
      %parallel_loop3A_853 = arith.addf %parallel_loop3A_852, %parallel_loop3A_61 : vector<16xf32>
      %parallel_loop3A_854 = arith.cmpf olt, %parallel_loop3A_830, %parallel_loop3A_853 : vector<16xf32>
      %parallel_loop3A_855 = arith.andi %parallel_loop3A_849, %parallel_loop3A_854 : vector<16xi1>
      %parallel_loop3A_856 = arith.xori %parallel_loop3A_846, %parallel_loop3A_855 : vector<16xi1>
      %parallel_loop3A_857 = arith.cmpf ogt, %parallel_loop3A_90, %parallel_loop3A_837 : vector<16xf32>
      %parallel_loop3A_858 = arith.cmpf ogt, %parallel_loop3A_83, %parallel_loop3A_837 : vector<16xf32>
      %parallel_loop3A_859 = arith.xori %parallel_loop3A_857, %parallel_loop3A_858 : vector<16xi1>
      %parallel_loop3A_860 = arith.subf %parallel_loop3A_837, %parallel_loop3A_90 : vector<16xf32>
      %parallel_loop3A_861 = arith.mulf %parallel_loop3A_129, %parallel_loop3A_860 : vector<16xf32>
      %parallel_loop3A_862 = arith.divf %parallel_loop3A_861, %parallel_loop3A_128 : vector<16xf32>
      %parallel_loop3A_863 = arith.addf %parallel_loop3A_862, %parallel_loop3A_65 : vector<16xf32>
      %parallel_loop3A_864 = arith.cmpf olt, %parallel_loop3A_830, %parallel_loop3A_863 : vector<16xf32>
      %parallel_loop3A_865 = arith.andi %parallel_loop3A_859, %parallel_loop3A_864 : vector<16xi1>
      %parallel_loop3A_866 = arith.xori %parallel_loop3A_856, %parallel_loop3A_865 : vector<16xi1>
      %parallel_loop3A_867 = arith.cmpf ogt, %parallel_loop3A_97, %parallel_loop3A_837 : vector<16xf32>
      %parallel_loop3A_868 = arith.cmpf ogt, %parallel_loop3A_90, %parallel_loop3A_837 : vector<16xf32>
      %parallel_loop3A_869 = arith.xori %parallel_loop3A_867, %parallel_loop3A_868 : vector<16xi1>
      %parallel_loop3A_870 = arith.subf %parallel_loop3A_837, %parallel_loop3A_97 : vector<16xf32>
      %parallel_loop3A_871 = arith.mulf %parallel_loop3A_137, %parallel_loop3A_870 : vector<16xf32>
      %parallel_loop3A_872 = arith.divf %parallel_loop3A_871, %parallel_loop3A_136 : vector<16xf32>
      %parallel_loop3A_873 = arith.addf %parallel_loop3A_872, %parallel_loop3A_69 : vector<16xf32>
      %parallel_loop3A_874 = arith.cmpf olt, %parallel_loop3A_830, %parallel_loop3A_873 : vector<16xf32>
      %parallel_loop3A_875 = arith.andi %parallel_loop3A_869, %parallel_loop3A_874 : vector<16xi1>
      %parallel_loop3A_876 = arith.xori %parallel_loop3A_866, %parallel_loop3A_875 : vector<16xi1>
      %parallel_loop3A_877 = arith.select %parallel_loop3A_876, %broadcast_in_dim3A_20, %parallel_loop3A_44 : vector<16xi1>, vector<16xf32>
      %parallel_loop3A_878 = arith.subf %parallel_loop3A_830, %parallel_loop3A_101 : vector<16xf32>
      %parallel_loop3A_879 = arith.subf %parallel_loop3A_837, %parallel_loop3A_105 : vector<16xf32>
      %parallel_loop3A_880 = arith.mulf %parallel_loop3A_878, %parallel_loop3A_878 : vector<16xf32>
      %parallel_loop3A_881 = arith.mulf %parallel_loop3A_879, %parallel_loop3A_879 : vector<16xf32>
      %parallel_loop3A_882 = arith.addf %parallel_loop3A_880, %parallel_loop3A_881 : vector<16xf32>
      %parallel_loop3A_883 = vector.bitcast %parallel_loop3A_882 : vector<16xf32> to vector<16xi32>
      %parallel_loop3A_884 = arith.constant 1 : i32
      %parallel_loop3A_885 = vector.broadcast %parallel_loop3A_884 : i32 to vector<16xi32>
      %parallel_loop3A_886 = arith.shrsi %parallel_loop3A_883, %parallel_loop3A_885 : vector<16xi32>
      %parallel_loop3A_887 = arith.constant 1597463007 : i32
      %parallel_loop3A_888 = vector.broadcast %parallel_loop3A_887 : i32 to vector<16xi32>
      %parallel_loop3A_889 = arith.subi %parallel_loop3A_888, %parallel_loop3A_886 : vector<16xi32>
      %parallel_loop3A_890 = vector.bitcast %parallel_loop3A_889 : vector<16xi32> to vector<16xf32>
      %parallel_loop3A_891 = arith.mulf %parallel_loop3A_882, %parallel_loop3A_890 : vector<16xf32>
      %parallel_loop3A_892 = arith.constant 5.000000e-01 : f32
      %parallel_loop3A_893 = vector.broadcast %parallel_loop3A_892 : f32 to vector<16xf32>
      %parallel_loop3A_894 = arith.mulf %parallel_loop3A_893, %parallel_loop3A_891 : vector<16xf32>
      %parallel_loop3A_895 = arith.mulf %parallel_loop3A_894, %parallel_loop3A_890 : vector<16xf32>
      %parallel_loop3A_896 = arith.constant 1.500000e+00 : f32
      %parallel_loop3A_897 = vector.broadcast %parallel_loop3A_896 : f32 to vector<16xf32>
      %parallel_loop3A_898 = arith.subf %parallel_loop3A_897, %parallel_loop3A_895 : vector<16xf32>
      %parallel_loop3A_899 = arith.mulf %parallel_loop3A_890, %parallel_loop3A_898 : vector<16xf32>
      %parallel_loop3A_900 = arith.mulf %parallel_loop3A_882, %parallel_loop3A_899 : vector<16xf32>
      %parallel_loop3A_901 = arith.constant 5.000000e-01 : f32
      %parallel_loop3A_902 = vector.broadcast %parallel_loop3A_901 : f32 to vector<16xf32>
      %parallel_loop3A_903 = arith.mulf %parallel_loop3A_902, %parallel_loop3A_900 : vector<16xf32>
      %parallel_loop3A_904 = arith.mulf %parallel_loop3A_903, %parallel_loop3A_899 : vector<16xf32>
      %parallel_loop3A_905 = arith.constant 1.500000e+00 : f32
      %parallel_loop3A_906 = vector.broadcast %parallel_loop3A_905 : f32 to vector<16xf32>
      %parallel_loop3A_907 = arith.subf %parallel_loop3A_906, %parallel_loop3A_904 : vector<16xf32>
      %parallel_loop3A_908 = arith.mulf %parallel_loop3A_899, %parallel_loop3A_907 : vector<16xf32>
      %parallel_loop3A_909 = arith.mulf %parallel_loop3A_882, %parallel_loop3A_908 : vector<16xf32>
      %parallel_loop3A_910 = arith.constant 5.000000e-01 : f32
      %parallel_loop3A_911 = vector.broadcast %parallel_loop3A_910 : f32 to vector<16xf32>
      %parallel_loop3A_912 = arith.mulf %parallel_loop3A_911, %parallel_loop3A_909 : vector<16xf32>
      %parallel_loop3A_913 = arith.mulf %parallel_loop3A_912, %parallel_loop3A_908 : vector<16xf32>
      %parallel_loop3A_914 = arith.constant 1.500000e+00 : f32
      %parallel_loop3A_915 = vector.broadcast %parallel_loop3A_914 : f32 to vector<16xf32>
      %parallel_loop3A_916 = arith.subf %parallel_loop3A_915, %parallel_loop3A_913 : vector<16xf32>
      %parallel_loop3A_917 = arith.mulf %parallel_loop3A_908, %parallel_loop3A_916 : vector<16xf32>
      %parallel_loop3A_918 = arith.mulf %parallel_loop3A_882, %parallel_loop3A_917 : vector<16xf32>
      %parallel_loop3A_919 = arith.constant 2.000000e-01 : f32
      %parallel_loop3A_920 = vector.broadcast %parallel_loop3A_919 : f32 to vector<16xf32>
      %parallel_loop3A_921 = arith.mulf %parallel_loop3A_920, %parallel_loop3A_918 : vector<16xf32>
      %parallel_loop3A_922 = arith.mulf %parallel_loop3A_921, %parallel_loop3A_877 : vector<16xf32>
      %parallel_loop3A_923 = arith.addf %parallel_loop3A_825, %parallel_loop3A_922 : vector<16xf32>
      %parallel_loop3A_924 = arith.addf %parallel_loop3A_826, %parallel_loop3A_877 : vector<16xf32>
      %parallel_loop3A_925 = arith.constant 16 : i32
      %parallel_loop3A_926 = vector.broadcast %parallel_loop3A_925 : i32 to vector<16xi32>
      %parallel_loop3A_927 = arith.addi %parallel_loop3A_140, %parallel_loop3A_926 : vector<16xi32>
      %parallel_loop3A_928 = tpu.vector_load_idx %arg6[%parallel_loop3A_927] : memref<2304xf32, #tpu.memory_space<vmem>>[vector<16xi32>], vector<16xf32>,
      %parallel_loop3A_929 = arith.constant 16 : i32
      %parallel_loop3A_930 = vector.broadcast %parallel_loop3A_929 : i32 to vector<16xi32>
      %parallel_loop3A_931 = arith.addi %parallel_loop3A_140, %parallel_loop3A_930 : vector<16xi32>
      %parallel_loop3A_932 = arith.constant 1 : i32
      %parallel_loop3A_933 = vector.broadcast %parallel_loop3A_932 : i32 to vector<16xi32>
      %parallel_loop3A_934 = arith.addi %parallel_loop3A_931, %parallel_loop3A_933 : vector<16xi32>
      %parallel_loop3A_935 = tpu.vector_load_idx %arg6[%parallel_loop3A_934] : memref<2304xf32, #tpu.memory_space<vmem>>[vector<16xi32>], vector<16xf32>,
      %parallel_loop3A_936 = arith.cmpf ogt, %parallel_loop3A_76, %parallel_loop3A_935 : vector<16xf32>
      %parallel_loop3A_937 = arith.cmpf ogt, %parallel_loop3A_97, %parallel_loop3A_935 : vector<16xf32>
      %parallel_loop3A_938 = arith.xori %parallel_loop3A_936, %parallel_loop3A_937 : vector<16xi1>
      %parallel_loop3A_939 = arith.subf %parallel_loop3A_935, %parallel_loop3A_76 : vector<16xf32>
      %parallel_loop3A_940 = arith.mulf %parallel_loop3A_113, %parallel_loop3A_939 : vector<16xf32>
      %parallel_loop3A_941 = arith.divf %parallel_loop3A_940, %parallel_loop3A_112 : vector<16xf32>
      %parallel_loop3A_942 = arith.addf %parallel_loop3A_941, %parallel_loop3A_57 : vector<16xf32>
      %parallel_loop3A_943 = arith.cmpf olt, %parallel_loop3A_928, %parallel_loop3A_942 : vector<16xf32>
      %parallel_loop3A_944 = arith.andi %parallel_loop3A_938, %parallel_loop3A_943 : vector<16xi1>
      %parallel_loop3A_945 = arith.cmpf ogt, %parallel_loop3A_83, %parallel_loop3A_935 : vector<16xf32>
      %parallel_loop3A_946 = arith.cmpf ogt, %parallel_loop3A_76, %parallel_loop3A_935 : vector<16xf32>
      %parallel_loop3A_947 = arith.xori %parallel_loop3A_945, %parallel_loop3A_946 : vector<16xi1>
      %parallel_loop3A_948 = arith.subf %parallel_loop3A_935, %parallel_loop3A_83 : vector<16xf32>
      %parallel_loop3A_949 = arith.mulf %parallel_loop3A_121, %parallel_loop3A_948 : vector<16xf32>
      %parallel_loop3A_950 = arith.divf %parallel_loop3A_949, %parallel_loop3A_120 : vector<16xf32>
      %parallel_loop3A_951 = arith.addf %parallel_loop3A_950, %parallel_loop3A_61 : vector<16xf32>
      %parallel_loop3A_952 = arith.cmpf olt, %parallel_loop3A_928, %parallel_loop3A_951 : vector<16xf32>
      %parallel_loop3A_953 = arith.andi %parallel_loop3A_947, %parallel_loop3A_952 : vector<16xi1>
      %parallel_loop3A_954 = arith.xori %parallel_loop3A_944, %parallel_loop3A_953 : vector<16xi1>
      %parallel_loop3A_955 = arith.cmpf ogt, %parallel_loop3A_90, %parallel_loop3A_935 : vector<16xf32>
      %parallel_loop3A_956 = arith.cmpf ogt, %parallel_loop3A_83, %parallel_loop3A_935 : vector<16xf32>
      %parallel_loop3A_957 = arith.xori %parallel_loop3A_955, %parallel_loop3A_956 : vector<16xi1>
      %parallel_loop3A_958 = arith.subf %parallel_loop3A_935, %parallel_loop3A_90 : vector<16xf32>
      %parallel_loop3A_959 = arith.mulf %parallel_loop3A_129, %parallel_loop3A_958 : vector<16xf32>
      %parallel_loop3A_960 = arith.divf %parallel_loop3A_959, %parallel_loop3A_128 : vector<16xf32>
      %parallel_loop3A_961 = arith.addf %parallel_loop3A_960, %parallel_loop3A_65 : vector<16xf32>
      %parallel_loop3A_962 = arith.cmpf olt, %parallel_loop3A_928, %parallel_loop3A_961 : vector<16xf32>
      %parallel_loop3A_963 = arith.andi %parallel_loop3A_957, %parallel_loop3A_962 : vector<16xi1>
      %parallel_loop3A_964 = arith.xori %parallel_loop3A_954, %parallel_loop3A_963 : vector<16xi1>
      %parallel_loop3A_965 = arith.cmpf ogt, %parallel_loop3A_97, %parallel_loop3A_935 : vector<16xf32>
      %parallel_loop3A_966 = arith.cmpf ogt, %parallel_loop3A_90, %parallel_loop3A_935 : vector<16xf32>
      %parallel_loop3A_967 = arith.xori %parallel_loop3A_965, %parallel_loop3A_966 : vector<16xi1>
      %parallel_loop3A_968 = arith.subf %parallel_loop3A_935, %parallel_loop3A_97 : vector<16xf32>
      %parallel_loop3A_969 = arith.mulf %parallel_loop3A_137, %parallel_loop3A_968 : vector<16xf32>
      %parallel_loop3A_970 = arith.divf %parallel_loop3A_969, %parallel_loop3A_136 : vector<16xf32>
      %parallel_loop3A_971 = arith.addf %parallel_loop3A_970, %parallel_loop3A_69 : vector<16xf32>
      %parallel_loop3A_972 = arith.cmpf olt, %parallel_loop3A_928, %parallel_loop3A_971 : vector<16xf32>
      %parallel_loop3A_973 = arith.andi %parallel_loop3A_967, %parallel_loop3A_972 : vector<16xi1>
      %parallel_loop3A_974 = arith.xori %parallel_loop3A_964, %parallel_loop3A_973 : vector<16xi1>
      %parallel_loop3A_975 = arith.select %parallel_loop3A_974, %broadcast_in_dim3A_20, %parallel_loop3A_44 : vector<16xi1>, vector<16xf32>
      %parallel_loop3A_976 = arith.subf %parallel_loop3A_928, %parallel_loop3A_101 : vector<16xf32>
      %parallel_loop3A_977 = arith.subf %parallel_loop3A_935, %parallel_loop3A_105 : vector<16xf32>
      %parallel_loop3A_978 = arith.mulf %parallel_loop3A_976, %parallel_loop3A_976 : vector<16xf32>
      %parallel_loop3A_979 = arith.mulf %parallel_loop3A_977, %parallel_loop3A_977 : vector<16xf32>
      %parallel_loop3A_980 = arith.addf %parallel_loop3A_978, %parallel_loop3A_979 : vector<16xf32>
      %parallel_loop3A_981 = vector.bitcast %parallel_loop3A_980 : vector<16xf32> to vector<16xi32>
      %parallel_loop3A_982 = arith.constant 1 : i32
      %parallel_loop3A_983 = vector.broadcast %parallel_loop3A_982 : i32 to vector<16xi32>
      %parallel_loop3A_984 = arith.shrsi %parallel_loop3A_981, %parallel_loop3A_983 : vector<16xi32>
      %parallel_loop3A_985 = arith.constant 1597463007 : i32
      %parallel_loop3A_986 = vector.broadcast %parallel_loop3A_985 : i32 to vector<16xi32>
      %parallel_loop3A_987 = arith.subi %parallel_loop3A_986, %parallel_loop3A_984 : vector<16xi32>
      %parallel_loop3A_988 = vector.bitcast %parallel_loop3A_987 : vector<16xi32> to vector<16xf32>
      %parallel_loop3A_989 = arith.mulf %parallel_loop3A_980, %parallel_loop3A_988 : vector<16xf32>
      %parallel_loop3A_990 = arith.constant 5.000000e-01 : f32
      %parallel_loop3A_991 = vector.broadcast %parallel_loop3A_990 : f32 to vector<16xf32>
      %parallel_loop3A_992 = arith.mulf %parallel_loop3A_991, %parallel_loop3A_989 : vector<16xf32>
      %parallel_loop3A_993 = arith.mulf %parallel_loop3A_992, %parallel_loop3A_988 : vector<16xf32>
      %parallel_loop3A_994 = arith.constant 1.500000e+00 : f32
      %parallel_loop3A_995 = vector.broadcast %parallel_loop3A_994 : f32 to vector<16xf32>
      %parallel_loop3A_996 = arith.subf %parallel_loop3A_995, %parallel_loop3A_993 : vector<16xf32>
      %parallel_loop3A_997 = arith.mulf %parallel_loop3A_988, %parallel_loop3A_996 : vector<16xf32>
      %parallel_loop3A_998 = arith.mulf %parallel_loop3A_980, %parallel_loop3A_997 : vector<16xf32>
      %parallel_loop3A_999 = arith.constant 5.000000e-01 : f32
      %parallel_loop3A_1000 = vector.broadcast %parallel_loop3A_999 : f32 to vector<16xf32>
      %parallel_loop3A_1001 = arith.mulf %parallel_loop3A_1000, %parallel_loop3A_998 : vector<16xf32>
      %parallel_loop3A_1002 = arith.mulf %parallel_loop3A_1001, %parallel_loop3A_997 : vector<16xf32>
      %parallel_loop3A_1003 = arith.constant 1.500000e+00 : f32
      %parallel_loop3A_1004 = vector.broadcast %parallel_loop3A_1003 : f32 to vector<16xf32>
      %parallel_loop3A_1005 = arith.subf %parallel_loop3A_1004, %parallel_loop3A_1002 : vector<16xf32>
      %parallel_loop3A_1006 = arith.mulf %parallel_loop3A_997, %parallel_loop3A_1005 : vector<16xf32>
      %parallel_loop3A_1007 = arith.mulf %parallel_loop3A_980, %parallel_loop3A_1006 : vector<16xf32>
      %parallel_loop3A_1008 = arith.constant 5.000000e-01 : f32
      %parallel_loop3A_1009 = vector.broadcast %parallel_loop3A_1008 : f32 to vector<16xf32>
      %parallel_loop3A_1010 = arith.mulf %parallel_loop3A_1009, %parallel_loop3A_1007 : vector<16xf32>
      %parallel_loop3A_1011 = arith.mulf %parallel_loop3A_1010, %parallel_loop3A_1006 : vector<16xf32>
      %parallel_loop3A_1012 = arith.constant 1.500000e+00 : f32
      %parallel_loop3A_1013 = vector.broadcast %parallel_loop3A_1012 : f32 to vector<16xf32>
      %parallel_loop3A_1014 = arith.subf %parallel_loop3A_1013, %parallel_loop3A_1011 : vector<16xf32>
      %parallel_loop3A_1015 = arith.mulf %parallel_loop3A_1006, %parallel_loop3A_1014 : vector<16xf32>
      %parallel_loop3A_1016 = arith.mulf %parallel_loop3A_980, %parallel_loop3A_1015 : vector<16xf32>
      %parallel_loop3A_1017 = arith.constant 2.000000e-01 : f32
      %parallel_loop3A_1018 = vector.broadcast %parallel_loop3A_1017 : f32 to vector<16xf32>
      %parallel_loop3A_1019 = arith.mulf %parallel_loop3A_1018, %parallel_loop3A_1016 : vector<16xf32>
      %parallel_loop3A_1020 = arith.mulf %parallel_loop3A_1019, %parallel_loop3A_975 : vector<16xf32>
      %parallel_loop3A_1021 = arith.addf %parallel_loop3A_923, %parallel_loop3A_1020 : vector<16xf32>
      %parallel_loop3A_1022 = arith.addf %parallel_loop3A_924, %parallel_loop3A_975 : vector<16xf32>
      %parallel_loop3A_1023 = arith.constant 16 : i32
      %parallel_loop3A_1024 = arith.muli %parallel_loop3A_33, %parallel_loop3A_1023 : i32
      %parallel_loop3A_1025 = arith.addi %sub3A, %parallel_loop3A_1024 : i32
      %parallel_loop3A_1026 = arith.index_cast %parallel_loop3A_1025 : i32 to index
      %parallel_loop3A_1027 = tpu.vector_load %arg8[%parallel_loop3A_1026] {strides = array<i32>} : memref<128xf32, #tpu.memory_space<vmem>>, vector<16xf32>,
      %parallel_loop3A_1028 = arith.constant 0.000000e+00 : f32
      %parallel_loop3A_1029 = vector.broadcast %parallel_loop3A_1028 : f32 to vector<16xf32>
      %parallel_loop3A_1030 = arith.cmpf ogt, %parallel_loop3A_1027, %parallel_loop3A_1029 : vector<16xf32>
      %parallel_loop3A_1031 = arith.select %parallel_loop3A_1030, %parallel_loop3A_44, %broadcast_in_dim3A_20 : vector<16xi1>, vector<16xf32>
      %parallel_loop3A_1032 = arith.addf %parallel_loop3A_36, %parallel_loop3A_1031 : vector<16xf32>
      scf.yield %parallel_loop3A_1021, %parallel_loop3A_1022, %parallel_loop3A_1032 : vector<16xf32>, vector<16xf32>, vector<16xf32>
    } {sc.loop_unroll_factor = 2 : i64, sc.parallel_access}
    %swap3A = arith.constant 0 : index
    %swap3A_24 = tpu.vector_load %arg9[%swap3A] {strides = array<i32>} : memref<48xf32, #tpu.memory_space<vmem>>, vector<16xf32>,
    tpu.vector_store %arg9[%swap3A], %parallel_loop3A_23#0 {strides = array<i32>} : memref<48xf32, #tpu.memory_space<vmem>>, vector<16xf32>,
    %swap3A_25 = arith.constant 16 : index
    %swap3A_26 = tpu.vector_load %arg9[%swap3A_25] {strides = array<i32>} : memref<48xf32, #tpu.memory_space<vmem>>, vector<16xf32>,
    tpu.vector_store %arg9[%swap3A_25], %parallel_loop3A_23#1 {strides = array<i32>} : memref<48xf32, #tpu.memory_space<vmem>>, vector<16xf32>,
    %swap3A_27 = arith.constant 32 : index
    %swap3A_28 = tpu.vector_load %arg9[%swap3A_27] {strides = array<i32>} : memref<48xf32, #tpu.memory_space<vmem>>, vector<16xf32>,
    tpu.vector_store %arg9[%swap3A_27], %parallel_loop3A_23#2 {strides = array<i32>} : memref<48xf32, #tpu.memory_space<vmem>>, vector<16xf32>,
    %mul3A_29 = arith.constant 48 : i32
    %mul3A_30 = arith.muli %arg1, %mul3A_29 : i32
    "tpu.region"() ({
      %run_scoped3A = tpu.sem_alloc : memref<!tpu.dma_semaphore, #tpu.memory_space<semaphore_mem>>
      %dma_start3A_33 = tpu.memref_slice %arg10[%mul3A_30] : memref<768xf32, #tpu.memory_space<vmem_shared>> -> memref<48xf32, #tpu.memory_space<vmem_shared>>
      %dma_start3A_34 = tpu.memref_slice %arg10[%mul3A_30] : memref<768xf32, #tpu.memory_space<vmem_shared>> -> memref<48xf32, #tpu.memory_space<vmem_shared>>
      tpu.enqueue_dma source(%arg9 : memref<48xf32, #tpu.memory_space<vmem>>) target(%dma_start3A_34 : memref<48xf32, #tpu.memory_space<vmem_shared>>) target_semaphore(%run_scoped3A : memref<!tpu.dma_semaphore, #tpu.memory_space<semaphore_mem>>)
      %dma_wait3A_35 = tpu.memref_slice %arg10[%mul3A_30] : memref<768xf32, #tpu.memory_space<vmem_shared>> -> memref<48xf32, #tpu.memory_space<vmem_shared>>
      %dma_wait3A_36 = tpu.memref_slice %arg10[%mul3A_30] : memref<768xf32, #tpu.memory_space<vmem_shared>> -> memref<48xf32, #tpu.memory_space<vmem_shared>>
      tpu.wait_dma2 semaphore(%run_scoped3A : memref<!tpu.dma_semaphore, #tpu.memory_space<semaphore_mem>>) src(%arg9 : memref<48xf32, #tpu.memory_space<vmem>>) dst(%dma_wait3A_36 : memref<48xf32, #tpu.memory_space<vmem_shared>>)
      tpu.yield
    }) : () -> ()
    %barrier3A = arith.constant 0 : index
    tpu.barrier barrier_id(%barrier3A)
    %eq3A = arith.constant 0 : i32
    %eq3A_31 = arith.cmpi eq, %arg1, %eq3A : i32
    %convert_element_type3A = arith.extui %eq3A_31 : i1 to i32
    %cond3A = arith.constant 0 : i32
    %cond3A_32 = arith.cmpi ne, %convert_element_type3A, %cond3A : i32
    scf.if %cond3A_32 {
      "tpu.region"() ({
        %run_scoped3A = tpu.sem_alloc : memref<!tpu.dma_semaphore, #tpu.memory_space<semaphore_mem>>
        tpu.enqueue_dma source(%arg10 : memref<768xf32, #tpu.memory_space<vmem_shared>>) target(%arg11 : memref<768xf32, #tpu.memory_space<vmem>>) target_semaphore(%run_scoped3A : memref<!tpu.dma_semaphore, #tpu.memory_space<semaphore_mem>>)
        tpu.wait_dma2 semaphore(%run_scoped3A : memref<!tpu.dma_semaphore, #tpu.memory_space<semaphore_mem>>) src(%arg10 : memref<768xf32, #tpu.memory_space<vmem_shared>>) dst(%arg11 : memref<768xf32, #tpu.memory_space<vmem>>)
        tpu.yield
      }) : () -> ()
      %get3A = arith.constant 0 : index
      %get3A_33 = tpu.vector_load %arg11[%get3A] {strides = array<i32>} : memref<768xf32, #tpu.memory_space<vmem>>, vector<16xf32>,
      %add3A = arith.addf %broadcast_in_dim3A_20, %get3A_33 : vector<16xf32>
      %get3A_34 = arith.constant 16 : index
      %get3A_35 = tpu.vector_load %arg11[%get3A_34] {strides = array<i32>} : memref<768xf32, #tpu.memory_space<vmem>>, vector<16xf32>,
      %add3A_36 = arith.addf %broadcast_in_dim3A_20, %get3A_35 : vector<16xf32>
      %get3A_37 = arith.constant 32 : index
      %get3A_38 = tpu.vector_load %arg11[%get3A_37] {strides = array<i32>} : memref<768xf32, #tpu.memory_space<vmem>>, vector<16xf32>,
      %add3A_39 = arith.addf %broadcast_in_dim3A_20, %get3A_38 : vector<16xf32>
      %get3A_40 = arith.constant 48 : index
      %get3A_41 = tpu.vector_load %arg11[%get3A_40] {strides = array<i32>} : memref<768xf32, #tpu.memory_space<vmem>>, vector<16xf32>,
      %add3A_42 = arith.addf %add3A, %get3A_41 : vector<16xf32>
      %get3A_43 = arith.constant 64 : index
      %get3A_44 = tpu.vector_load %arg11[%get3A_43] {strides = array<i32>} : memref<768xf32, #tpu.memory_space<vmem>>, vector<16xf32>,
      %add3A_45 = arith.addf %add3A_36, %get3A_44 : vector<16xf32>
      %get3A_46 = arith.constant 80 : index
      %get3A_47 = tpu.vector_load %arg11[%get3A_46] {strides = array<i32>} : memref<768xf32, #tpu.memory_space<vmem>>, vector<16xf32>,
      %add3A_48 = arith.addf %add3A_39, %get3A_47 : vector<16xf32>
      %get3A_49 = arith.constant 96 : index
      %get3A_50 = tpu.vector_load %arg11[%get3A_49] {strides = array<i32>} : memref<768xf32, #tpu.memory_space<vmem>>, vector<16xf32>,
      %add3A_51 = arith.addf %add3A_42, %get3A_50 : vector<16xf32>
      %get3A_52 = arith.constant 112 : index
      %get3A_53 = tpu.vector_load %arg11[%get3A_52] {strides = array<i32>} : memref<768xf32, #tpu.memory_space<vmem>>, vector<16xf32>,
      %add3A_54 = arith.addf %add3A_45, %get3A_53 : vector<16xf32>
      %get3A_55 = arith.constant 128 : index
      %get3A_56 = tpu.vector_load %arg11[%get3A_55] {strides = array<i32>} : memref<768xf32, #tpu.memory_space<vmem>>, vector<16xf32>,
      %add3A_57 = arith.addf %add3A_48, %get3A_56 : vector<16xf32>
      %get3A_58 = arith.constant 144 : index
      %get3A_59 = tpu.vector_load %arg11[%get3A_58] {strides = array<i32>} : memref<768xf32, #tpu.memory_space<vmem>>, vector<16xf32>,
      %add3A_60 = arith.addf %add3A_51, %get3A_59 : vector<16xf32>
      %get3A_61 = arith.constant 160 : index
      %get3A_62 = tpu.vector_load %arg11[%get3A_61] {strides = array<i32>} : memref<768xf32, #tpu.memory_space<vmem>>, vector<16xf32>,
      %add3A_63 = arith.addf %add3A_54, %get3A_62 : vector<16xf32>
      %get3A_64 = arith.constant 176 : index
      %get3A_65 = tpu.vector_load %arg11[%get3A_64] {strides = array<i32>} : memref<768xf32, #tpu.memory_space<vmem>>, vector<16xf32>,
      %add3A_66 = arith.addf %add3A_57, %get3A_65 : vector<16xf32>
      %get3A_67 = arith.constant 192 : index
      %get3A_68 = tpu.vector_load %arg11[%get3A_67] {strides = array<i32>} : memref<768xf32, #tpu.memory_space<vmem>>, vector<16xf32>,
      %add3A_69 = arith.addf %add3A_60, %get3A_68 : vector<16xf32>
      %get3A_70 = arith.constant 208 : index
      %get3A_71 = tpu.vector_load %arg11[%get3A_70] {strides = array<i32>} : memref<768xf32, #tpu.memory_space<vmem>>, vector<16xf32>,
      %add3A_72 = arith.addf %add3A_63, %get3A_71 : vector<16xf32>
      %get3A_73 = arith.constant 224 : index
      %get3A_74 = tpu.vector_load %arg11[%get3A_73] {strides = array<i32>} : memref<768xf32, #tpu.memory_space<vmem>>, vector<16xf32>,
      %add3A_75 = arith.addf %add3A_66, %get3A_74 : vector<16xf32>
      %get3A_76 = arith.constant 240 : index
      %get3A_77 = tpu.vector_load %arg11[%get3A_76] {strides = array<i32>} : memref<768xf32, #tpu.memory_space<vmem>>, vector<16xf32>,
      %add3A_78 = arith.addf %add3A_69, %get3A_77 : vector<16xf32>
      %get3A_79 = arith.constant 256 : index
      %get3A_80 = tpu.vector_load %arg11[%get3A_79] {strides = array<i32>} : memref<768xf32, #tpu.memory_space<vmem>>, vector<16xf32>,
      %add3A_81 = arith.addf %add3A_72, %get3A_80 : vector<16xf32>
      %get3A_82 = arith.constant 272 : index
      %get3A_83 = tpu.vector_load %arg11[%get3A_82] {strides = array<i32>} : memref<768xf32, #tpu.memory_space<vmem>>, vector<16xf32>,
      %add3A_84 = arith.addf %add3A_75, %get3A_83 : vector<16xf32>
      %get3A_85 = arith.constant 288 : index
      %get3A_86 = tpu.vector_load %arg11[%get3A_85] {strides = array<i32>} : memref<768xf32, #tpu.memory_space<vmem>>, vector<16xf32>,
      %add3A_87 = arith.addf %add3A_78, %get3A_86 : vector<16xf32>
      %get3A_88 = arith.constant 304 : index
      %get3A_89 = tpu.vector_load %arg11[%get3A_88] {strides = array<i32>} : memref<768xf32, #tpu.memory_space<vmem>>, vector<16xf32>,
      %add3A_90 = arith.addf %add3A_81, %get3A_89 : vector<16xf32>
      %get3A_91 = arith.constant 320 : index
      %get3A_92 = tpu.vector_load %arg11[%get3A_91] {strides = array<i32>} : memref<768xf32, #tpu.memory_space<vmem>>, vector<16xf32>,
      %add3A_93 = arith.addf %add3A_84, %get3A_92 : vector<16xf32>
      %get3A_94 = arith.constant 336 : index
      %get3A_95 = tpu.vector_load %arg11[%get3A_94] {strides = array<i32>} : memref<768xf32, #tpu.memory_space<vmem>>, vector<16xf32>,
      %add3A_96 = arith.addf %add3A_87, %get3A_95 : vector<16xf32>
      %get3A_97 = arith.constant 352 : index
      %get3A_98 = tpu.vector_load %arg11[%get3A_97] {strides = array<i32>} : memref<768xf32, #tpu.memory_space<vmem>>, vector<16xf32>,
      %add3A_99 = arith.addf %add3A_90, %get3A_98 : vector<16xf32>
      %get3A_100 = arith.constant 368 : index
      %get3A_101 = tpu.vector_load %arg11[%get3A_100] {strides = array<i32>} : memref<768xf32, #tpu.memory_space<vmem>>, vector<16xf32>,
      %add3A_102 = arith.addf %add3A_93, %get3A_101 : vector<16xf32>
      %get3A_103 = arith.constant 384 : index
      %get3A_104 = tpu.vector_load %arg11[%get3A_103] {strides = array<i32>} : memref<768xf32, #tpu.memory_space<vmem>>, vector<16xf32>,
      %add3A_105 = arith.addf %add3A_96, %get3A_104 : vector<16xf32>
      %get3A_106 = arith.constant 400 : index
      %get3A_107 = tpu.vector_load %arg11[%get3A_106] {strides = array<i32>} : memref<768xf32, #tpu.memory_space<vmem>>, vector<16xf32>,
      %add3A_108 = arith.addf %add3A_99, %get3A_107 : vector<16xf32>
      %get3A_109 = arith.constant 416 : index
      %get3A_110 = tpu.vector_load %arg11[%get3A_109] {strides = array<i32>} : memref<768xf32, #tpu.memory_space<vmem>>, vector<16xf32>,
      %add3A_111 = arith.addf %add3A_102, %get3A_110 : vector<16xf32>
      %get3A_112 = arith.constant 432 : index
      %get3A_113 = tpu.vector_load %arg11[%get3A_112] {strides = array<i32>} : memref<768xf32, #tpu.memory_space<vmem>>, vector<16xf32>,
      %add3A_114 = arith.addf %add3A_105, %get3A_113 : vector<16xf32>
      %get3A_115 = arith.constant 448 : index
      %get3A_116 = tpu.vector_load %arg11[%get3A_115] {strides = array<i32>} : memref<768xf32, #tpu.memory_space<vmem>>, vector<16xf32>,
      %add3A_117 = arith.addf %add3A_108, %get3A_116 : vector<16xf32>
      %get3A_118 = arith.constant 464 : index
      %get3A_119 = tpu.vector_load %arg11[%get3A_118] {strides = array<i32>} : memref<768xf32, #tpu.memory_space<vmem>>, vector<16xf32>,
      %add3A_120 = arith.addf %add3A_111, %get3A_119 : vector<16xf32>
      %get3A_121 = arith.constant 480 : index
      %get3A_122 = tpu.vector_load %arg11[%get3A_121] {strides = array<i32>} : memref<768xf32, #tpu.memory_space<vmem>>, vector<16xf32>,
      %add3A_123 = arith.addf %add3A_114, %get3A_122 : vector<16xf32>
      %get3A_124 = arith.constant 496 : index
      %get3A_125 = tpu.vector_load %arg11[%get3A_124] {strides = array<i32>} : memref<768xf32, #tpu.memory_space<vmem>>, vector<16xf32>,
      %add3A_126 = arith.addf %add3A_117, %get3A_125 : vector<16xf32>
      %get3A_127 = arith.constant 512 : index
      %get3A_128 = tpu.vector_load %arg11[%get3A_127] {strides = array<i32>} : memref<768xf32, #tpu.memory_space<vmem>>, vector<16xf32>,
      %add3A_129 = arith.addf %add3A_120, %get3A_128 : vector<16xf32>
      %get3A_130 = arith.constant 528 : index
      %get3A_131 = tpu.vector_load %arg11[%get3A_130] {strides = array<i32>} : memref<768xf32, #tpu.memory_space<vmem>>, vector<16xf32>,
      %add3A_132 = arith.addf %add3A_123, %get3A_131 : vector<16xf32>
      %get3A_133 = arith.constant 544 : index
      %get3A_134 = tpu.vector_load %arg11[%get3A_133] {strides = array<i32>} : memref<768xf32, #tpu.memory_space<vmem>>, vector<16xf32>,
      %add3A_135 = arith.addf %add3A_126, %get3A_134 : vector<16xf32>
      %get3A_136 = arith.constant 560 : index
      %get3A_137 = tpu.vector_load %arg11[%get3A_136] {strides = array<i32>} : memref<768xf32, #tpu.memory_space<vmem>>, vector<16xf32>,
      %add3A_138 = arith.addf %add3A_129, %get3A_137 : vector<16xf32>
      %get3A_139 = arith.constant 576 : index
      %get3A_140 = tpu.vector_load %arg11[%get3A_139] {strides = array<i32>} : memref<768xf32, #tpu.memory_space<vmem>>, vector<16xf32>,
      %add3A_141 = arith.addf %add3A_132, %get3A_140 : vector<16xf32>
      %get3A_142 = arith.constant 592 : index
      %get3A_143 = tpu.vector_load %arg11[%get3A_142] {strides = array<i32>} : memref<768xf32, #tpu.memory_space<vmem>>, vector<16xf32>,
      %add3A_144 = arith.addf %add3A_135, %get3A_143 : vector<16xf32>
      %get3A_145 = arith.constant 608 : index
      %get3A_146 = tpu.vector_load %arg11[%get3A_145] {strides = array<i32>} : memref<768xf32, #tpu.memory_space<vmem>>, vector<16xf32>,
      %add3A_147 = arith.addf %add3A_138, %get3A_146 : vector<16xf32>
      %get3A_148 = arith.constant 624 : index
      %get3A_149 = tpu.vector_load %arg11[%get3A_148] {strides = array<i32>} : memref<768xf32, #tpu.memory_space<vmem>>, vector<16xf32>,
      %add3A_150 = arith.addf %add3A_141, %get3A_149 : vector<16xf32>
      %get3A_151 = arith.constant 640 : index
      %get3A_152 = tpu.vector_load %arg11[%get3A_151] {strides = array<i32>} : memref<768xf32, #tpu.memory_space<vmem>>, vector<16xf32>,
      %add3A_153 = arith.addf %add3A_144, %get3A_152 : vector<16xf32>
      %get3A_154 = arith.constant 656 : index
      %get3A_155 = tpu.vector_load %arg11[%get3A_154] {strides = array<i32>} : memref<768xf32, #tpu.memory_space<vmem>>, vector<16xf32>,
      %add3A_156 = arith.addf %add3A_147, %get3A_155 : vector<16xf32>
      %get3A_157 = arith.constant 672 : index
      %get3A_158 = tpu.vector_load %arg11[%get3A_157] {strides = array<i32>} : memref<768xf32, #tpu.memory_space<vmem>>, vector<16xf32>,
      %add3A_159 = arith.addf %add3A_150, %get3A_158 : vector<16xf32>
      %get3A_160 = arith.constant 688 : index
      %get3A_161 = tpu.vector_load %arg11[%get3A_160] {strides = array<i32>} : memref<768xf32, #tpu.memory_space<vmem>>, vector<16xf32>,
      %add3A_162 = arith.addf %add3A_153, %get3A_161 : vector<16xf32>
      %get3A_163 = arith.constant 704 : index
      %get3A_164 = tpu.vector_load %arg11[%get3A_163] {strides = array<i32>} : memref<768xf32, #tpu.memory_space<vmem>>, vector<16xf32>,
      %add3A_165 = arith.addf %add3A_156, %get3A_164 : vector<16xf32>
      %get3A_166 = arith.constant 720 : index
      %get3A_167 = tpu.vector_load %arg11[%get3A_166] {strides = array<i32>} : memref<768xf32, #tpu.memory_space<vmem>>, vector<16xf32>,
      %add3A_168 = arith.addf %add3A_159, %get3A_167 : vector<16xf32>
      %get3A_169 = arith.constant 736 : index
      %get3A_170 = tpu.vector_load %arg11[%get3A_169] {strides = array<i32>} : memref<768xf32, #tpu.memory_space<vmem>>, vector<16xf32>,
      %add3A_171 = arith.addf %add3A_162, %get3A_170 : vector<16xf32>
      %get3A_172 = arith.constant 752 : index
      %get3A_173 = tpu.vector_load %arg11[%get3A_172] {strides = array<i32>} : memref<768xf32, #tpu.memory_space<vmem>>, vector<16xf32>,
      %add3A_174 = arith.addf %add3A_165, %get3A_173 : vector<16xf32>
      %broadcast_in_dim3A_175 = arith.constant true
      %broadcast_in_dim3A_176 = vector.broadcast %broadcast_in_dim3A_175 : i1 to vector<16xi1>
      %masked_cumsum3A = tpu.scan <sum>, %add3A_168 masked %broadcast_in_dim3A_176 : vector<16xf32>, vector<16xi1> -> vector<16xf32>
      %broadcast_in_dim3A_177 = arith.constant true
      %broadcast_in_dim3A_178 = vector.broadcast %broadcast_in_dim3A_177 : i1 to vector<16xi1>
      %masked_cumsum3A_179 = tpu.scan <sum>, %add3A_171 masked %broadcast_in_dim3A_178 : vector<16xf32>, vector<16xi1> -> vector<16xf32>
      %broadcast_in_dim3A_180 = arith.constant true
      %broadcast_in_dim3A_181 = vector.broadcast %broadcast_in_dim3A_180 : i1 to vector<16xi1>
      %masked_cumsum3A_182 = tpu.scan <sum>, %add3A_174 masked %broadcast_in_dim3A_181 : vector<16xf32>, vector<16xi1> -> vector<16xf32>
      %add3A_183 = arith.constant 9.99999997E-7 : f32
      %add3A_184 = vector.broadcast %add3A_183 : f32 to vector<16xf32>
      %add3A_185 = arith.addf %masked_cumsum3A_182, %add3A_184 : vector<16xf32>
      %gt3A = arith.constant 0.000000e+00 : f32
      %gt3A_186 = vector.broadcast %gt3A : f32 to vector<16xf32>
      %gt3A_187 = arith.cmpf ogt, %masked_cumsum3A_179, %gt3A_186 : vector<16xf32>
      %max3A = arith.constant 1.000000e+00 : f32
      %max3A_188 = vector.broadcast %max3A : f32 to vector<16xf32>
      %max3A_189 = arith.maximumf %masked_cumsum3A_179, %max3A_188 : vector<16xf32>
      %div3A = arith.divf %masked_cumsum3A, %max3A_189 : vector<16xf32>
      %select_n3A = arith.select %gt3A_187, %div3A, %broadcast_in_dim3A_20 : vector<16xi1>, vector<16xf32>
      %div3A_190 = arith.divf %select_n3A, %add3A_185 : vector<16xf32>
      %rev3A = arith.constant 15 : i32
      %rev3A_191 = vector.broadcast %rev3A : i32 to vector<16xi32>
      %rev3A_192 = tpu.iota {dimensions = array<i32: 0>} : vector<16xi32>
      %rev3A_193 = arith.subi %rev3A_191, %rev3A_192 : vector<16xi32>
      %rev3A_194 = tpu.dynamic_gather %div3A_190[%rev3A_193] in [0] : vector<16xf32>, vector<16xi32> -> vector<16xf32>
      %swap3A_195 = arith.constant 0 : index
      %swap3A_196 = tpu.vector_load %arg12[%swap3A_195] {strides = array<i32>} : memref<16xf32, #tpu.memory_space<vmem>>, vector<16xf32>,
      tpu.vector_store %arg12[%swap3A_195], %rev3A_194 {strides = array<i32>} : memref<16xf32, #tpu.memory_space<vmem>>, vector<16xf32>,
      "tpu.region"() ({
        %run_scoped3A = tpu.sem_alloc : memref<!tpu.dma_semaphore, #tpu.memory_space<semaphore_mem>>
        %dma_start3A_197 = arith.constant 0 : i32
        %dma_start3A_198 = tpu.memref_slice %arg12[%dma_start3A_197] : memref<16xf32, #tpu.memory_space<vmem>> -> memref<1xf32, #tpu.memory_space<vmem>>
        %dma_start3A_199 = arith.constant 0 : i32
        %dma_start3A_200 = tpu.memref_slice %arg12[%dma_start3A_199] : memref<16xf32, #tpu.memory_space<vmem>> -> memref<1xf32, #tpu.memory_space<vmem>>
        tpu.enqueue_dma source(%dma_start3A_200 : memref<1xf32, #tpu.memory_space<vmem>>) target(%arg5 : memref<1xf32, #tpu.memory_space<hbm>>) target_semaphore(%run_scoped3A : memref<!tpu.dma_semaphore, #tpu.memory_space<semaphore_mem>>)
        %dma_wait3A_201 = arith.constant 0 : i32
        %dma_wait3A_202 = tpu.memref_slice %arg12[%dma_wait3A_201] : memref<16xf32, #tpu.memory_space<vmem>> -> memref<1xf32, #tpu.memory_space<vmem>>
        %dma_wait3A_203 = arith.constant 0 : i32
        %dma_wait3A_204 = tpu.memref_slice %arg12[%dma_wait3A_203] : memref<16xf32, #tpu.memory_space<vmem>> -> memref<1xf32, #tpu.memory_space<vmem>>
        tpu.wait_dma2 semaphore(%run_scoped3A : memref<!tpu.dma_semaphore, #tpu.memory_space<semaphore_mem>>) src(%dma_wait3A_204 : memref<1xf32, #tpu.memory_space<vmem>>) dst(%arg5 : memref<1xf32, #tpu.memory_space<hbm>>)
        tpu.yield
      }) : () -> ()
    } else {
    }
    return
  }
}

</mosaic_0001>

<sc_bundles>
// kernel: _run.3.cloned.1.call-start
scs
__scs_entry_jumppad:
0x0: {  	(pc) =	sbr.rel $0x88, $3  }
0x1: {  	(tag) =	ssettag $0x0;
	lr =	simm.s32 $0x1  }
0x2: {  	[smem:$0x3F9E] =	sst lr;
	_ =	strace $0xD0000000  }
0x3: {  	_ = 	snop  }
0x4: {  	_ = 	snop  }
0x5: {  	_ = 	snop  }
0x6: {  	_ = 	snop  }
0x7: {  	_ = 	snop  }
__scs_overlays_trampoline_lowered:
0x8: {  	[smem:$0x3FAD] =	sst s0  }
0x9: {  	[smem:$0x3FAE] =	sst s1  }
0xa: {  	[smem:$0x3FAF] =	sst s2  }
0xb: {  	[smem:$0x3FB0] =	sst s3  }
0xc: {  	[smem:$0x3FB1] =	sst s4  }
0xd: {  	[smem:$0x3FB2] =	sst s5  }
0xe: {  	[smem:$0x3FB3] =	sst s6  }
0xf: {  	[smem:$0x3FB4] =	sst s7  }
0x10: {  	[smem:$0x3FB5] =	sst s8  }
0x11: {  	[smem:$0x3FB6] =	sst s9;
	s0 =	simm.s32 @!p0 $0x0  }
0x12: {  	s1 =	sld [smem:$0x3F9C];
	s0 =	simm.s32 @p0 $0x1  }
0x13: {  	[smem:$0x3FB7] =	sst s0;
	s0 =	simm.s32 @!p1 $0x0  }
0x14: {  	s2 =	sld [smem:$0x3F9B];
	s0 =	simm.s32 @p1 $0x1  }
0x15: {  	[smem:$0x3FB8] =	sst s0;
	s0 =	simm.s32 @!p2 $0x0  }
0x16: {  	s3 =	sld [smem:$0x3FDB];
	s0 =	simm.s32 @p2 $0x1  }
0x17: {  	s4 =	simm.s32 $0x1BF5;
	[smem:$0x3FBA] =	sst s0  }
0x18: {  	s0 =	sld [smem:$0x3F9D];
	_ =	swait.ge [sflag:s4], $0x0  }
0x19: {  	s7 =	sld [smem:$0x3F9E]  }
0x1a: {  	s8 =	sadd.s32 $0xFFFFE003, lr  }
0x1b: {  	s9 =	sadd.s32 $0xFFFFFEF7, lr;
	s5 =	simm.s32 $0xFFFFFFFF;
	p2 =	slt.u32 s8, $0xFFFFF086  }
0x1c: {  	p1 =	slt.u32 s9, $0xF7A;
	s5 =	simm.s32 @!p2 $0x0  }
0x1d: {  	s5 =	simm.s32 @p1 $0x1;
	p0 =	seq.s32 s7, s2  }
0x1e: {  	s7 =	smul.u32 @!p0 $0xF7A, s2;
	p2 =	seq.s32 @!p0 s5, $0x0  }
0x1f: {  	s9 =	smul.u32 $0xF7A, s1;
	s8 =	simm.s32 @!p0 $0x1BF5;
	p2 =	por !p2, p0  }
0x20: {  	[sflag:s8] =	ssyncset.s32 @!p0 $0xFFFFF086;
	s6 =	sadd.s32 @!p0 s3, s7;
	s7 =	simm.s32 @!p0 $0x108  }
0x21: {  	s3 =	sadd.s32 s3, s9;
	s6 =	sadd.s32 @!p0 $0x88, s6;
	s7 =	simm.s32 @p2 $0x1082  }
0x22: {  	[simem:s7], [sflag:s8] =	dma.local @!p0 [hbm:s6], $0xF7A  }
0x23: {  	s9 =	sor.u32 $0xD0000000, s2;
	s6 =	simm.s32 $0x108;
	_ =	swait.ge @!p0 [sflag:s8], $0x0  }
0x24: {  	s3 =	sadd.s32 $0x88, s3;
	s6 =	simm.s32 @!p1 $0x1082;
	[sflag:s4] =	ssyncset.s32 $0xFFFFF086  }
0x25: {  	[simem:s6], [sflag:s4] =	dma.local [hbm:s3], $0xF7A  }
0x26: {  	[smem:$0x3F9E] =	sst s1;
	(tag) =	ssettag s2;
	_ =	strace s9  }
0x27: {  	s1 =	sld [smem:$0x3FAE]  }
0x28: {  	s2 =	sld [smem:$0x3FAF]  }
0x29: {  	s4 =	sld [smem:$0x3FB1]  }
0x2a: {  	p0 =	seq.s32 s5, $0x0;
	s5 =	sld [smem:$0x3FB2]  }
0x2b: {  	s6 =	sld [smem:$0x3FB3]  }
0x2c: {  	s7 =	sld [smem:$0x3FB4]  }
0x2d: {  	s3 =	simm.s32 $0x108;
	s8 =	sld [smem:$0x3FB5]  }
0x2e: {  	s3 =	simm.s32 @!p0 $0x1082;
	s9 =	sld [smem:$0x3FB6]  }
0x2f: {  	lr =	sadd.s32 s0, s3;
	s0 =	sld [smem:$0x3FAD]  }
0x30: {  	s3 =	sld [smem:$0x3FB0]  }
0x31: {  	[smem:$0x3FB9] =	sst s10  }
0x32: {  	s10 =	sld [smem:$0x3FB7];
	_ =	sdelay $0x3  }
0x33: {  	p0 =	seq.s32 s10, $0x1;
	s10 =	sld [smem:$0x3FB9];
	_ =	sdelay $0x3  }
0x34: {  	[smem:$0x3FB9] =	sst s10  }
0x35: {  	s10 =	sld [smem:$0x3FB8];
	_ =	sdelay $0x3  }
0x36: {  	p1 =	seq.s32 s10, $0x1;
	s10 =	sld [smem:$0x3FB9];
	_ =	sdelay $0x3  }
0x37: {  	[smem:$0x3FB9] =	sst s10  }
0x38: {  	s10 =	sld [smem:$0x3FBA]  }
0x39: {  	_ = 	snop;
	(pc) =	sbr.ind lr, $3  }
0x3a: {  	_ = 	snop  }
0x3b: {  	_ = 	snop  }
0x3c: {  	p2 =	seq.s32 s10, $0x1;
	s10 =	sld [smem:$0x3FB9]  }
0x3d: {  	_ =	shalt  }
0x3e: {  	_ =	shalt  }
0x3f: {  	_ =	shalt  }
0x40: {  	_ =	shalt  }
0x41: {  	_ =	shalt  }
0x42: {  	_ =	shalt  }
0x43: {  	_ =	shalt  }
0x44: {  	_ =	shalt  }
0x45: {  	_ =	shalt  }
0x46: {  	_ =	shalt  }
0x47: {  	_ =	shalt  }
0x48: {  	_ =	shalt  }
0x49: {  	_ =	shalt  }
0x4a: {  	_ =	shalt  }
0x4b: {  	_ =	shalt  }
0x4c: {  	_ =	shalt  }
0x4d: {  	_ =	shalt  }
0x4e: {  	_ =	shalt  }
0x4f: {  	_ =	shalt  }
0x50: {  	_ =	shalt  }
0x51: {  	_ =	shalt  }
0x52: {  	_ =	shalt  }
0x53: {  	_ =	shalt  }
0x54: {  	_ =	shalt  }
0x55: {  	_ =	shalt  }
0x56: {  	_ =	shalt  }
0x57: {  	_ =	shalt  }
0x58: {  	_ =	shalt  }
0x59: {  	_ =	shalt  }
0x5a: {  	_ =	shalt  }
0x5b: {  	_ =	shalt  }
0x5c: {  	_ =	shalt  }
0x5d: {  	_ =	shalt  }
0x5e: {  	_ =	shalt  }
0x5f: {  	_ =	shalt  }
0x60: {  	_ =	shalt  }
0x61: {  	_ =	shalt  }
0x62: {  	_ =	shalt  }
0x63: {  	_ =	shalt  }
0x64: {  	_ =	shalt  }
0x65: {  	_ =	shalt  }
0x66: {  	_ =	shalt  }
0x67: {  	_ =	shalt  }
0x68: {  	_ =	shalt  }
0x69: {  	_ =	shalt  }
0x6a: {  	_ =	shalt  }
0x6b: {  	_ =	shalt  }
0x6c: {  	_ =	shalt  }
0x6d: {  	_ =	shalt  }
0x6e: {  	_ =	shalt  }
0x6f: {  	_ =	shalt  }
0x70: {  	_ =	shalt  }
0x71: {  	_ =	shalt  }
0x72: {  	_ =	shalt  }
0x73: {  	_ =	shalt  }
0x74: {  	_ =	shalt  }
0x75: {  	_ =	shalt  }
0x76: {  	_ =	shalt  }
0x77: {  	_ =	shalt  }
0x78: {  	_ =	shalt  }
0x79: {  	_ =	shalt  }
0x7a: {  	_ =	shalt  }
0x7b: {  	_ =	shalt  }
0x7c: {  	_ =	shalt  }
0x7d: {  	_ =	shalt  }
0x7e: {  	_ =	shalt  }
0x7f: {  	_ =	shalt  }
0x80: {  	_ =	shalt  }
0x81: {  	_ =	shalt  }
0x82: {  	_ =	shalt  }
0x83: {  	_ =	shalt  }
0x84: {  	_ =	shalt  }
0x85: {  	_ =	shalt  }
0x86: {  	_ =	shalt  }
0x87: {  	_ =	shalt  }
.Lfunc_end0:
.L_simem_size_0:
called_computation_lowered:
.L_overlay_start_0:
0x88: {  	s0 =	sld [smem:$0x3FD9]  }
0x89: {  	s1 =	sld [smem:$0x3FFE];
	_ =	sdelay $0x3  }
0x8a: {  	s0 =	sadd.s32 s1, s0  }
0x8b: {  	[smem:$0x3FC5] =	sst s0  }
0x8c: {  	_ = 	snop  }
0x8d: {  	s0 =	sld [smem:$0x3FC9]  }
0x8e: {  	s17 =	sld [smem:$0x3FC8]  }
0x8f: {  	s2 =	sld [smem:$0x3FC7]  }
0x90: {  	s3 =	sld [smem:$0x3FD0];
	(tm) =	ssettm $0x1  }
0x91: {  	s4 =	sld [smem:$0x3FFB];
	_ =	sdelay $0x3  }
0x92: {  	_ =	strace s4  }
0x93: {  	s4 =	sld [smem:$0x3FFC];
	_ =	sdelay $0x3  }
0x94: {  	_ =	strace s4  }
0x95: {  	s4 =	sld [smem:$0x3FFD];
	_ =	sdelay $0x3  }
0x96: {  	_ =	strace s4  }
0x97: {  	_ =	strace $0x8FFFFFFF  }
0x98: {  	s18 =	sld [smem:$0x3FDB];
	_ =	sdelay $0x1  }
0x99: {  	s5 =	simm.s32 $_scs_section_size  }
0x9a: {  	s6 =	simm.s32 $_size__tile_overlayer_lowered;
	s7 =	simm.s32 $_tile_overlayer_lowered  }
0x9b: {  	s21 =	simm.s32 $0x1BFF;
	s20 =	sshll.u32 s7, $0x1;
	s4 =	sadd.s32 s5, s18  }
0x9c: {  	s8 =	simm.s32 $0x0;
	s19 =	sshll.u32 s6, $0x1;
	s6 =	sadd.s32 s20, s4  }
0x9d: {  	[timem:s8], [sflag:s21] =	dma.local [hbm:s6], s19  }
0x9e: {  	_ =	swait.ge [sflag:s21], s19  }
0x9f: {  	s5 =	ssub.s32 $0x0, s19;
	[sflag:s21] =	ssyncset.done $0x0  }
0xa0: {  	[sflag:s21] =	ssyncadd.s32 s5;
	_ =	sdelay $0x1  }
0xa1: {  	s22 =	simm.s32 $0x1B8B  }
0xa2: {  	_ =	swait.ge [sflag:s22], $0x1  }
0xa3: {  	[sflag:s22] =	ssyncset.done $0x0  }
0xa4: {  	s23 =	simm.s32 $0x1B8E;
	[sflag:s22] =	ssyncadd.s32 $0xFFFFFFFF  }
0xa5: {  	s24 =	simm.s32 $execute0_lowered;
	[smem:$0x3FD2] =	sst s23  }
0xa6: {  	s5 =	sshll.u32 s24, $0x1;
	_ =	strace $0x80000046;
	[dreg:$0x1] =	wrdreg $0xFFFFFFFF  }
0xa7: {  	s25 =	simm.s32 $_size_execute0_lowered;
	s4 =	sadd.s32 s4, s5;
	[dreg:$0x0] =	wrdreg $0x0  }
0xa8: {  	s5 =	sshll.u32 s25, $0x1;
	[dreg:$0x2] =	wrdreg s4  }
0xa9: {  	[dreg:$0x3] =	wrdreg s5  }
0xaa: {  	[dreg:$0x4] =	wrdreg $0xC0  }
0xab: {  	_ =	task [dreg:s8], $0x5FFFF  }
0xac: {  	[dreg:$0x1] =	wrdreg $0xFFFFFFFF  }
0xad: {  	[dreg:$0x0] =	wrdreg $0x60  }
0xae: {  	[dreg:$0x2] =	wrdreg s0  }
0xaf: {  	[dreg:$0x3] =	wrdreg s17  }
0xb0: {  	[dreg:$0x4] =	wrdreg s2  }
0xb1: {  	[dreg:$0x5] =	wrdreg s3  }
0xb2: {  	[dreg:$0x6] =	wrdreg $0xE000  }
0xb3: {  	[dreg:$0x7] =	wrdreg $0x9  }
0xb4: {  	_ =	task.clear_ibuf [dreg:s8], $0x8FFFF;
	_ =	strace $0x90000046  }
0xb5: {  	s26 =	simm.s32 $0x9;
	_ =	strace $0x80000048  }
0xb6: {  	_ =	swait.ge [sflag:s26], $0x1  }
0xb7: {  	[sflag:s26] =	ssyncadd.s32 $0xFFFFFFFF  }
0xb8: {  	_ =	strace $0x90000048  }
0xb9: {  	_ =	sfence  }
0xba: {  	s28 =	sld [smem:$0x0];
	_ =	sdelay $0x1  }
0xbb: {  	s29 =	srdreg.scid  }
0xbc: {  	s30 =	sshll.u32 s29, $0xD;
	s31 =	sshrl.u32 s29, $0x2  }
0xbd: {  	s1 =	sand.u32 $0x1, s29;
	s2 =	sand.u32 $0x4000, s30;
	s0 =	sadd.s32 s31, s28  }
0xbe: {  	s1 =	sor.u32 s2, s1;
	s0 =	sshll.u32 s0, $0x11  }
0xbf: {  	s0 =	sor.u32 s0, s1  }
0xc0: {  	s0 =	sadd.s32 $0x8F2B, s0  }
0xc1: {  	[sflag:s0] =	ssyncadd.remote.s32 $0x1  }
0xc2: {  	_ =	sfence.sel $0xFFFF  }
0xc3: {  	[dreg:$0x0] =	wrdreg $0xFFFFFFFF;
	(pc) =	sbr.abs _section_cstart, $3  }
0xc4: {  	[dreg:$0x1] =	wrdreg $0xFFFFFFFF  }
0xc5: {  	_ =	task.clear_ibuf [dreg:s8], $0x2FFFF;
	_ =	strace $0x9FFFFFFF  }
0xc6: {  	(tm) =	ssettm $0x7FFFFFFF  }
0xc7: {  	_ =	shalt  }
tec
execute0_lowered:
.L_overlay_start_1:
0x0: {  	(tag) =	ssettag $0x1  }
0x1: {  	s5 =	rddreg [dreg:$0x0];
	s3 =	stileid.u32  }
0x2: {  	s6 =	rddreg [dreg:$0x1];
	s8 =	sshll.u32 s3, $0x7  }
0x3: {  	s7 =	rddreg [dreg:$0x2];
	s9 =	smin.u32 s8, $0x750  }
0x4: {  	s1 =	rddreg [dreg:$0x3];
	s10 =	smul.u32 $0x12, s9  }
0x5: {  	s2 =	rddreg [dreg:$0x4];
	s4 =	simm.s32 $0x0  }
0x6: {  	[smem:$0x7FF] =	sst s4;
	s10 =	sshrl.u32 s10, $0x3  }
0x7: {  	s0 =	rddreg [dreg:$0x5];
	_ =	strace $0x80000047;
	s5 =	sadd.s32 s5, s10  }
0x8: {  	[tilespmem:s4], [sflag:$0x1] =	stream.linear.gather [hbm4b:s5+s4], $0x900, $0x38;
	[tilespmem:$0x11B0] =	vst v63  }
0x9: {  	s6 =	sadd.s32 s6, s9;
	s20 =	sshrl.u32 s9, $0x3;
	s5 =	simm.s32 $0x900  }
0xa: {  	[tilespmem:s5], [sflag:$0x2] =	stream.linear.gather [hbm4b:s6+s4], $0x400, $0x38;
	[tilespmem:$0x11B0] =	vst v63  }
0xb: {  	s22 =	simm.s32 $0xD00;
	s23 =	simm.s32 $0x1;
	s21 =	sadd.s32 s7, s20  }
0xc: {  	[tilespmem:s22], [sflag:$0x3] =	stream.linear.gather [hbm4b:s21+s4], $0x80, $0x38;
	[tilespmem:$0x11B0] =	vst v63  }
0xd: {  	_ =	swait.ge [sflag:s23], $0x900  }
0xe: {  	[sflag:s23] =	ssyncset.done $0x0  }
0xf: {  	s24 =	simm.s32 $0x2;
	[sflag:s23] =	ssyncadd.s32 $0xFFFFF700  }
0x10: {  	s26 =	simm.s32 $0x3;
	_ =	swait.ge [sflag:s24], $0x400  }
0x11: {  	s28 =	sshll.u32 s3, $0x9;
	s25 =	sxor.u32 $0x7D0, s8;
	[sflag:s24] =	ssyncset.done $0x0  }
0x12: {  	s11 =	sshll.u32 s9, $0x2;
	s7 =	smin.u32 s25, $0x80;
	[sflag:s24] =	ssyncadd.s32 $0xFFFFFC00  }
0x13: {  	s29 =	sadd.s32 $0xFFFFFFFF, s7;
	v0 =	vmov s7;
	s10 =	ssub.s32 s28, s11;
	_ =	swait.ge [sflag:s26], $0x80  }
0x14: {  	s8 =	ssub.s32 s8, s9;
	v62 =	vmov s29;
	s30 =	sadd.s32 $0x40, s10;
	[tilespmem:$0x1FFD0] =	vst v0  }
0x15: {  	v63 =	vmov s8;
	s8 =	simm.s32 $0x10;
	s31 =	sshra.s32 s30, $0x2;
	[tilespmem:$0x1FFE0] =	vst v62;
	[sflag:s26] =	ssyncset.done $0x0  }
0x16: {  	v4 =	vimm.f32 $0.0e+00;
	v7 =	vimm.f32 $0.0e+00;
	v9 =	vimm.f32 $0.0e+00;
	s7 =	simm.s32 $0xFFFFFFFE;
	s6 =	sadd.s32 $0xD00, s31;
	[tilespmem:$0x1FFF0] =	vst v63;
	[sflag:s26] =	ssyncadd.s32 $0xFFFFFF80  }
.LBB2_1:
0x17: {  	v1 =	vld [tilespmem:$0x1FFE0];
	_ =	sdelay $0x1  }
0x18: {  	v2 =	vld [tilespmem:$0x1FFF0]  }
0x19: {  	s9 =	sadd.s32 $0xFFFFFFF0, s8;
	v5 =	vlaneseq.u32  }
0x1a: {  	v3 =	vor.u32 s9, v5  }
0x1b: {  	vm0 =	vlt.s32 v3, v1  }
0x1c: {  	v6 =	vsel vm0, v3, v1  }
0x1d: {  	v6 =	vadd.s32 v2, v6  }
0x1e: {  	v8 =	vshll.u32 v6, $0x3  }
0x1f: {  	v10 =	vor.u32 $0x4, v8  }
0x20: {  	v11 =	vor.u32 $0x1, v8  }
0x21: {  	v12 =	vor.u32 $0x5, v8;
	_ =	sdelay $0x1  }
0x22: {  	v27 =	vmul.u32 $0x12, v6;
	v17 =	vld.idx.msk [tilespmem:v8+s5+$0x0], $0xffff  }
0x23: {  	v21 =	vld.idx.msk [tilespmem:v10+s5+$0x0], $0xffff  }
0x24: {  	v6 =	vor.u32 $0x1, v27;
	v19 =	vld.idx.msk [tilespmem:v11+s5+$0x0], $0xffff  }
0x25: {  	v23 =	vld.idx.msk [tilespmem:v12+s5+$0x0], $0xffff  }
0x26: {  	v10 =	vor.u32 $0x7, v8  }
0x27: {  	v14 =	vor.u32 $0x6, v8  }
0x28: {  	v11 =	vld.idx.msk [tilespmem:v27+s4+$0x0], $0xffff  }
0x29: {  	v45 =	vld.idx.msk [tilespmem:v6+s4+$0x0], $0xffff  }
0x2a: {  	v0 =	vld [tilespmem:$0x1FFD0];
	v6 =	vadd.f32 v21, v17;
	v13 =	vadd.f32 v23, v19  }
0x2b: {  	v46 =	vadd.s32 $0x2, v27;
	v18 =	vld.idx.msk [tilespmem:v10+s5+$0x0], $0xffff  }
0x2c: {  	v24 =	vld.idx.msk [tilespmem:v14+s5+$0x0], $0xffff;
	v34 =	vmul.f32 $5.000000000e-01, v6;
	v35 =	vmul.f32 $5.000000000e-01, v13;
	v6 =	vor.u32 $0x3, v8;
	_ =	sdelay $0x1  }
0x2d: {  	v10 =	vsub.f32 v11, v34;
	v13 =	vsub.f32 v45, v35  }
0x2e: {  	v50 =	vimm.s32 $0x0;
	v8 =	vor.u32 $0x2, v8  }
0x2f: {  	v14 =	vld.idx.msk [tilespmem:v46+s4+$0x0], $0xffff;
	v15 =	vsub.f32 v18, v19;
	v10 =	vmul.f32 v10, v10;
	v13 =	vmul.f32 v13, v13  }
0x30: {  	vm9 =	vlt.u32 v3, v0;
	v63 =	vadd.s32 $0x5, v27;
	v32 =	vsub.f32 v24, v17;
	v22 =	vld.idx.msk [tilespmem:v6+s5+$0x0], $0xffff  }
0x31: {  	v26 =	vsub.f32 v21, v24;
	vm8 =	veq.f32 v15, $0.0e+00;
	v10 =	vadd.f32 v13, v10  }
0x32: {  	v16 =	vsub.f32 v45, v19;
	vm12 =	vgt.f32 v19, v45;
	v6 =	vsel vm8, $0x3F800000, v15  }
0x33: {  	v28 =	vsub.f32 v45, v23;
	(erf) = vrcp.f32 v6;
	v13 =	vshra.s32 v10, $0x1  }
0x34: {  	vm5 =	vgt.f32 v23, v45;
	v16 =	vmul.f32 v16, v32;
	v25 =	vld.idx.msk [tilespmem:v8+s5+$0x0], $0xffff;
	v13 =	vsub.s32 $0x5F3759DF, v13  }
0x35: {  	v54 =	vsub.f32 v14, v34;
	v6 =	vmul.f32 v13, v10;
	v8 =	vsub.f32 v19, v22  }
0x36: {  	v20 =	vsub.f32 v23, v18;
	vm13 =	vgt.f32 v18, v45;
	v29 =	vsub.f32 v45, v18  }
0x37: {  	vm2 =	vmxor vm12, vm13;
	v3 =	vmul.f32 $5.000000000e-01, v6;
	vm1 =	veq.f32 v8, $0.0e+00  }
0x38: {  	vm0 =	vmxor vm13, vm5;
	v6 =	vsel vm1, $0x3F800000, v8;
	v8 =	vadd.s32 $0x3, v27  }
0x39: {  	v47 =	vsub.f32 v22, v23;
	v31 =	vsub.f32 v17, v25;
	v3 =	vmul.f32 v13, v3  }
0x3a: {  	v56 =	vmul.f32 v29, v26;
	v30 =	vsub.f32 v25, v21;
	v52 =	vsub.f32 v45, v22  }
0x3b: {  	vm10 =	veq.f32 v47, $0.0e+00;
	(erf) = vrcp.f32 v6;
	v3 =	vsub.f32 $1.500000000e+00, v3  }
0x3c: {  	v53 =	vmul.f32 v52, v31;
	v15 =	vsel vm10, $0x3F800000, v47;
	v47 =	vadd.s32 $0x7, v27;
	v36 =	vpop (erf)  }
0x3d: {  	vm11 =	veq.f32 v20, $0.0e+00;
	v48 =	vmul.f32 v36, v16;
	v3 =	vmul.f32 v13, v3;
	v49 =	vld.idx.msk [tilespmem:v8+s4+$0x0], $0xffff  }
0x3e: {  	vm14 =	vgt.f32 v22, v45;
	v28 =	vmul.f32 v28, v30;
	(erf) = vrcp.f32 v15  }
0x3f: {  	v8 =	vsel vm11, $0x3F800000, v20;
	v13 =	vadd.f32 v48, v17;
	v51 =	vmul.f32 v3, v10  }
0x40: {  	vm1 =	vmxor vm14, vm12;
	v6 =	vsel vm9, $0x3F800000, v50;
	(erf) = vrcp.f32 v8  }
0x41: {  	v16 =	vmul.f32 v54, v54;
	v15 =	vld.idx.msk [tilespmem:v47+s4+$0x0], $0xffff;
	vm3 =	vlt.f32 v11, v13;
	v8 =	vmul.f32 $5.000000000e-01, v51  }
0x42: {  	vm2 =	vmand vm2, vm3;
	vm3 =	vmxor vm5, vm14;
	v55 =	vsub.f32 v49, v35  }
0x43: {  	v61 =	vsub.f32 v49, v19;
	v62 =	vsub.f32 v49, v22;
	vm8 =	vgt.f32 v19, v49  }
0x44: {  	v38 =	vpop (erf);
	vm9 =	vgt.f32 v18, v49;
	v37 =	vsub.f32 v49, v23;
	v8 =	vmul.f32 v8, v3  }
0x45: {  	v40 =	vsub.f32 v49, v18;
	v13 =	vmul.f32 v53, v38;
	v20 =	vmul.f32 v55, v55  }
0x46: {  	vm12 =	vgt.f32 v22, v49;
	v47 =	vsub.f32 v15, v23;
	v8 =	vsub.f32 $1.500000000e+00, v8  }
0x47: {  	vm14 =	vgt.f32 v23, v49;
	v13 =	vadd.f32 v13, v25;
	v16 =	vadd.f32 v20, v16  }
0x48: {  	v41 =	vpop (erf);
	vm10 =	vmxor vm8, vm9;
	v39 =	vmul.f32 v37, v30;
	v3 =	vmul.f32 v8, v3  }
0x49: {  	v8 =	vmul.f32 v28, v41;
	vm4 =	vlt.f32 v11, v13;
	v33 =	vpop (erf);
	v58 =	vshra.s32 v16, $0x1  }
0x4a: {  	v20 =	vmul.f32 v33, v56;
	v57 =	vmul.f32 v3, v10;
	v28 =	vsub.s32 $0x5F3759DF, v58  }
0x4b: {  	vm1 =	vmand vm1, vm4;
	v8 =	vadd.f32 v8, v21;
	v60 =	vmul.f32 v28, v16  }
0x4c: {  	vm1 =	vmxor vm2, vm1;
	v58 =	vsub.f32 v15, v35;
	v59 =	vmul.f32 $5.000000000e-01, v57  }
0x4d: {  	vm15 =	vlt.f32 v11, v8;
	v8 =	vadd.f32 v20, v24;
	v20 =	vld.idx.msk [tilespmem:v63+s4+$0x0], $0xffff;
	v13 =	vmul.f32 $5.000000000e-01, v60  }
0x4e: {  	vm6 =	vmand vm3, vm15;
	vm3 =	vmxor vm14, vm12;
	v12 =	vmul.f32 v59, v3  }
0x4f: {  	vm7 =	vlt.f32 v11, v8;
	vm1 =	vmxor vm6, vm1;
	v11 =	vmul.f32 v28, v13  }
0x50: {  	vm0 =	vmand vm0, vm7;
	v13 =	vmul.f32 v62, v31;
	v8 =	vsub.f32 $1.500000000e+00, v12  }
0x51: {  	v12 =	vmul.f32 v61, v32;
	vm0 =	vmxor vm0, vm1;
	vm1 =	vmxor vm12, vm8  }
0x52: {  	v13 =	vmul.f32 v13, v38;
	v37 =	vsub.f32 v20, v35;
	v51 =	vsub.f32 v20, v19  }
0x53: {  	v54 =	vsub.f32 v20, v22;
	v3 =	vmul.f32 v8, v3;
	v8 =	vsub.f32 $1.500000000e+00, v11  }
0x54: {  	vm8 =	vgt.f32 v19, v20;
	v11 =	vadd.s32 $0x4, v27;
	v12 =	vmul.f32 v12, v36  }
0x55: {  	v60 =	vsub.f32 v20, v23;
	v3 =	vmul.f32 v3, v10;
	v10 =	vmul.f32 v28, v8  }
0x56: {  	vm12 =	vgt.f32 v22, v20;
	v43 =	vmul.f32 v37, v37;
	v55 =	vmul.f32 v54, v31  }
0x57: {  	v8 =	vsel vm0, $0x0, v6;
	v12 =	vadd.f32 v12, v17;
	v28 =	vmul.f32 v10, v16  }
0x58: {  	vm0 =	vmxor vm9, vm14;
	vm9 =	vgt.f32 v18, v20;
	vm14 =	vgt.f32 v23, v20  }
0x59: {  	v7 =	vadd.f32 v8, v7;
	vm11 =	vlt.f32 v14, v12;
	v29 =	vld.idx.msk [tilespmem:v11+s4+$0x0], $0xffff;
	v11 =	vmul.f32 $5.000000000e-01, v28  }
0x5a: {  	v3 =	vmul.f32 $2.000000030e-01, v3;
	v12 =	vmul.f32 v39, v41;
	vm2 =	vmand vm10, vm11  }
0x5b: {  	v28 =	vadd.f32 v13, v25;
	v13 =	vmul.f32 v40, v26;
	v11 =	vmul.f32 v11, v10  }
0x5c: {  	vm10 =	vmxor vm8, vm9;
	v3 =	vmul.f32 v3, v8;
	v12 =	vadd.f32 v12, v21  }
0x5d: {  	vm13 =	vlt.f32 v14, v28;
	v45 =	vmul.f32 v13, v33;
	v11 =	vsub.f32 $1.500000000e+00, v11  }
0x5e: {  	vm15 =	vlt.f32 v14, v12;
	vm1 =	vmand vm1, vm13;
	v42 =	vsub.f32 v29, v34  }
0x5f: {  	vm3 =	vmand vm3, vm15;
	v48 =	vadd.f32 v45, v24;
	v11 =	vmul.f32 v11, v10  }
0x60: {  	vm1 =	vmxor vm2, vm1;
	v45 =	vadd.s32 $0x8, v27;
	v10 =	vmul.f32 v42, v42  }
0x61: {  	vm1 =	vmxor vm3, vm1;
	vm7 =	vlt.f32 v14, v48;
	v44 =	vmul.f32 v11, v16  }
0x62: {  	v14 =	vmul.f32 v51, v32;
	v13 =	vadd.f32 v43, v10;
	v10 =	vadd.s32 $0x6, v27  }
0x63: {  	vm3 =	vmxor vm14, vm12;
	vm0 =	vmand vm0, vm7;
	v46 =	vmul.f32 $5.000000000e-01, v44  }
0x64: {  	v53 =	vmul.f32 v14, v36;
	v14 =	vmul.f32 v60, v30;
	v49 =	vshra.s32 v13, $0x1  }
0x65: {  	vm0 =	vmxor vm0, vm1;
	v37 =	vsub.s32 $0x5F3759DF, v49;
	v12 =	vmul.f32 v46, v11  }
0x66: {  	vm1 =	vmxor vm12, vm8;
	v14 =	vmul.f32 v14, v41;
	v52 =	vmul.f32 v37, v13  }
0x67: {  	vm8 =	vgt.f32 v19, v15;
	vm12 =	vgt.f32 v22, v15;
	v39 =	vld.idx.msk [tilespmem:v10+s4+$0x0], $0xffff;
	v12 =	vsub.f32 $1.500000000e+00, v12  }
0x68: {  	v49 =	vsub.f32 v15, v18;
	v14 =	vadd.f32 v14, v21;
	v28 =	vmul.f32 $5.000000000e-01, v52  }
0x69: {  	v46 =	vadd.s32 $0x9, v27;
	v10 =	vadd.f32 v3, v9;
	v3 =	vmul.f32 v12, v11  }
0x6a: {  	v9 =	vsel vm0, $0x0, v6;
	vm0 =	vmxor vm9, vm14;
	v28 =	vmul.f32 v37, v28  }
0x6b: {  	vm9 =	vgt.f32 v18, v15;
	v11 =	vmul.f32 v3, v16;
	v3 =	vadd.f32 v53, v17  }
0x6c: {  	vm14 =	vgt.f32 v23, v15;
	v56 =	vsub.f32 $1.500000000e+00, v28;
	v57 =	vsub.f32 v39, v34  }
0x6d: {  	v28 =	vmul.f32 v58, v58;
	vm11 =	vlt.f32 v29, v3;
	v3 =	vmul.f32 v55, v38  }
0x6e: {  	vm15 =	vlt.f32 v29, v14;
	v59 =	vmul.f32 v37, v56;
	v16 =	vmul.f32 v57, v57  }
0x6f: {  	v7 =	vadd.f32 v9, v7;
	vm6 =	vmand vm3, vm15;
	v3 =	vadd.f32 v3, v25  }
0x70: {  	vm3 =	vmxor vm14, vm12;
	v37 =	vmul.f32 v59, v13;
	v16 =	vadd.f32 v28, v16  }
0x71: {  	v55 =	vadd.s32 $0xA, v27;
	vm13 =	vlt.f32 v29, v3;
	v3 =	vsub.f32 v20, v18  }
0x72: {  	v57 =	vadd.s32 $0xB, v27;
	v61 =	vmul.f32 $5.000000000e-01, v37;
	v62 =	vshra.s32 v16, $0x1  }
0x73: {  	v11 =	vmul.f32 $2.000000030e-01, v11;
	v63 =	vsub.s32 $0x5F3759DF, v62;
	v3 =	vmul.f32 v3, v26  }
0x74: {  	vm2 =	vmand vm10, vm11;
	v28 =	vmul.f32 v61, v59;
	v37 =	vmul.f32 v63, v16  }
0x75: {  	vm10 =	vmxor vm8, vm9;
	v11 =	vmul.f32 v11, v9;
	v3 =	vmul.f32 v3, v33  }
0x76: {  	vm1 =	vmand vm1, vm13;
	v40 =	vsub.f32 $1.500000000e+00, v28;
	v42 =	vmul.f32 $5.000000000e-01, v37;
	v37 =	vld.idx.msk [tilespmem:v46+s4+$0x0], $0xffff  }
0x77: {  	v8 =	vadd.f32 v11, v10;
	vm1 =	vmxor vm2, vm1;
	v3 =	vadd.f32 v3, v24  }
0x78: {  	vm1 =	vmxor vm6, vm1;
	v14 =	vmul.f32 v40, v59;
	v43 =	vmul.f32 v63, v42  }
0x79: {  	v46 =	vadd.s32 $0xD, v27;
	v40 =	vsub.f32 v15, v22;
	vm7 =	vlt.f32 v29, v3  }
0x7a: {  	v3 =	vsub.f32 v15, v19;
	v44 =	vmul.f32 v14, v13;
	v12 =	vsub.f32 $1.500000000e+00, v43  }
0x7b: {  	v40 =	vmul.f32 v40, v31;
	vm0 =	vmand vm0, vm7;
	v56 =	vsub.f32 v37, v19  }
0x7c: {  	v29 =	vld.idx.msk [tilespmem:v45+s4+$0x0], $0xffff;
	v62 =	vsub.f32 v37, v22;
	v3 =	vmul.f32 v3, v32;
	vm0 =	vmxor vm0, vm1  }
0x7d: {  	v28 =	vmul.f32 $5.000000000e-01, v44;
	v20 =	vmul.f32 v63, v12;
	vm1 =	vmxor vm12, vm8  }
0x7e: {  	v44 =	vsub.f32 v37, v35;
	vm8 =	vgt.f32 v19, v37;
	vm12 =	vgt.f32 v22, v37  }
0x7f: {  	v12 =	vsel vm0, $0x0, v6;
	vm0 =	vmxor vm9, vm14;
	v58 =	vmul.f32 v56, v32  }
0x80: {  	vm9 =	vgt.f32 v18, v37;
	vm14 =	vgt.f32 v23, v37;
	v3 =	vmul.f32 v3, v36  }
0x81: {  	v28 =	vmul.f32 v28, v14;
	v42 =	vmul.f32 v20, v16;
	v43 =	vsub.f32 v29, v34  }
0x82: {  	v52 =	vmul.f32 v44, v44;
	v7 =	vadd.f32 v12, v7;
	v3 =	vadd.f32 v3, v17  }
0x83: {  	v28 =	vsub.f32 $1.500000000e+00, v28;
	v42 =	vmul.f32 $5.000000000e-01, v42;
	v51 =	vmul.f32 v43, v43  }
0x84: {  	v43 =	vmul.f32 v58, v36;
	vm11 =	vlt.f32 v39, v3;
	v3 =	vmul.f32 v40, v38  }
0x85: {  	v58 =	vadd.s32 $0xC, v27;
	v14 =	vmul.f32 v28, v14;
	v48 =	vmul.f32 v42, v20  }
0x86: {  	v40 =	vmul.f32 v47, v30;
	v42 =	vld.idx.msk [tilespmem:v55+s4+$0x0], $0xffff;
	v47 =	vmul.f32 v62, v31;
	vm2 =	vmand vm10, vm11  }
0x87: {  	v61 =	vadd.f32 v43, v17;
	vm10 =	vmxor vm8, vm9;
	v3 =	vadd.f32 v3, v25  }
0x88: {  	v28 =	vsub.f32 $1.500000000e+00, v48;
	v40 =	vmul.f32 v40, v41;
	v48 =	vmul.f32 v47, v38  }
0x89: {  	vm11 =	vlt.f32 v29, v61;
	vm13 =	vlt.f32 v39, v3;
	v3 =	vmul.f32 v49, v26  }
0x8a: {  	v28 =	vmul.f32 v28, v20;
	v40 =	vadd.f32 v40, v21;
	v20 =	vadd.f32 v52, v51  }
0x8b: {  	v52 =	vsub.f32 v37, v23;
	vm1 =	vmand vm1, vm13;
	v49 =	vsub.f32 v42, v34  }
0x8c: {  	vm1 =	vmxor vm2, vm1;
	v3 =	vmul.f32 v3, v33;
	v53 =	vmul.f32 v28, v16  }
0x8d: {  	vm15 =	vlt.f32 v39, v40;
	v54 =	vshra.s32 v20, $0x1;
	vm2 =	vmand vm10, vm11  }
0x8e: {  	v43 =	vmul.f32 v52, v30;
	v40 =	vsub.s32 $0x5F3759DF, v54;
	vm3 =	vmand vm3, vm15  }
0x8f: {  	v3 =	vadd.f32 v3, v24;
	v15 =	vmul.f32 $5.000000000e-01, v53;
	v45 =	vmul.f32 v40, v20  }
0x90: {  	vm1 =	vmxor vm3, vm1;
	v53 =	vsub.f32 v37, v18;
	v54 =	vmul.f32 v43, v41  }
0x91: {  	vm7 =	vlt.f32 v39, v3;
	v3 =	vmul.f32 v15, v28;
	v59 =	vmul.f32 $5.000000000e-01, v45;
	v39 =	vld.idx.msk [tilespmem:v57+s4+$0x0], $0xffff  }
0x92: {  	vm3 =	vmxor vm14, vm12;
	v15 =	vmul.f32 v14, v13;
	vm0 =	vmand vm0, vm7  }
0x93: {  	vm0 =	vmxor vm0, vm1;
	v3 =	vsub.f32 $1.500000000e+00, v3;
	v60 =	vmul.f32 v40, v59  }
0x94: {  	vm1 =	vmxor vm12, vm8;
	v15 =	vmul.f32 $2.000000030e-01, v15;
	v13 =	vsel vm0, $0x0, v6  }
0x95: {  	vm0 =	vmxor vm9, vm14;
	v3 =	vmul.f32 v3, v28;
	v63 =	vsub.f32 $1.500000000e+00, v60  }
0x96: {  	v28 =	vmul.f32 v49, v49;
	v7 =	vadd.f32 v13, v7;
	v51 =	vsub.f32 v39, v35  }
0x97: {  	v10 =	vmul.f32 v15, v12;
	v59 =	vsub.f32 v39, v19;
	v62 =	vsub.f32 v39, v22  }
0x98: {  	vm8 =	vgt.f32 v19, v39;
	vm9 =	vgt.f32 v18, v39;
	vm12 =	vgt.f32 v22, v39  }
0x99: {  	v47 =	vsub.f32 v39, v23;
	vm14 =	vgt.f32 v23, v39;
	v14 =	vmul.f32 v3, v16  }
0x9a: {  	v3 =	vmul.f32 v40, v63;
	v16 =	vadd.f32 v48, v25;
	vm10 =	vmxor vm8, vm9  }
0x9b: {  	v8 =	vadd.f32 v10, v8;
	v40 =	vmul.f32 v51, v51;
	v61 =	vmul.f32 v59, v32  }
0x9c: {  	v45 =	vmul.f32 v62, v31;
	v44 =	vmul.f32 v3, v20;
	vm13 =	vlt.f32 v29, v16  }
0x9d: {  	v16 =	vmul.f32 v53, v26;
	v53 =	vmul.f32 v47, v30;
	v28 =	vadd.f32 v40, v28  }
0x9e: {  	v14 =	vmul.f32 $2.000000030e-01, v14;
	vm1 =	vmand vm1, vm13;
	v44 =	vmul.f32 $5.000000000e-01, v44  }
0x9f: {  	v40 =	vadd.f32 v54, v21;
	v48 =	vmul.f32 v45, v38;
	v56 =	vshra.s32 v28, $0x1  }
0xa0: {  	v16 =	vmul.f32 v16, v33;
	v55 =	vmul.f32 v44, v3;
	v44 =	vsub.s32 $0x5F3759DF, v56  }
0xa1: {  	v54 =	vsub.f32 v39, v18;
	vm15 =	vlt.f32 v29, v40;
	v57 =	vmul.f32 v44, v28  }
0xa2: {  	vm1 =	vmxor vm2, vm1;
	v40 =	vld.idx.msk [tilespmem:v58+s4+$0x0], $0xffff;
	v16 =	vadd.f32 v16, v24;
	vm3 =	vmand vm3, vm15  }
0xa3: {  	vm1 =	vmxor vm3, vm1;
	v43 =	vsub.f32 $1.500000000e+00, v55;
	v37 =	vmul.f32 $5.000000000e-01, v57  }
0xa4: {  	vm3 =	vmxor vm14, vm12;
	vm7 =	vlt.f32 v29, v16;
	v29 =	vmul.f32 v61, v36  }
0xa5: {  	vm0 =	vmand vm0, vm7;
	v3 =	vmul.f32 v43, v3;
	v37 =	vmul.f32 v44, v37  }
0xa6: {  	v55 =	vmul.f32 v54, v26;
	vm0 =	vmxor vm0, vm1;
	v29 =	vadd.f32 v29, v17  }
0xa7: {  	v51 =	vsub.f32 v40, v34;
	v43 =	vmul.f32 v3, v20;
	v37 =	vsub.f32 $1.500000000e+00, v37  }
0xa8: {  	vm1 =	vmxor vm12, vm8;
	v39 =	vmul.f32 v55, v33;
	v16 =	vsel vm0, $0x0, v6  }
0xa9: {  	vm0 =	vmxor vm9, vm14;
	v60 =	vmul.f32 $5.000000000e-01, v43;
	v37 =	vmul.f32 v44, v37;
	v44 =	vld.idx.msk [tilespmem:v46+s4+$0x0], $0xffff  }
0xaa: {  	vm11 =	vlt.f32 v42, v29;
	v29 =	vadd.f32 v48, v25;
	v45 =	vmul.f32 v51, v51  }
0xab: {  	v48 =	vadd.s32 $0xE, v27;
	v43 =	vmul.f32 v60, v3;
	v63 =	vmul.f32 v37, v28  }
0xac: {  	v59 =	vadd.f32 v39, v24;
	v7 =	vadd.f32 v16, v7;
	vm13 =	vlt.f32 v42, v29  }
0xad: {  	v29 =	vmul.f32 v53, v41;
	v43 =	vsub.f32 $1.500000000e+00, v43;
	v49 =	vmul.f32 $5.000000000e-01, v63  }
0xae: {  	vm2 =	vmand vm10, vm11;
	vm8 =	vlt.f32 v42, v59;
	v52 =	vsub.f32 v44, v35  }
0xaf: {  	v29 =	vadd.f32 v29, v21;
	v3 =	vmul.f32 v43, v3;
	v43 =	vmul.f32 v49, v37  }
0xb0: {  	vm1 =	vmand vm1, vm13;
	vm0 =	vmand vm0, vm8;
	v46 =	vmul.f32 v52, v52  }
0xb1: {  	vm1 =	vmxor vm2, vm1;
	vm15 =	vlt.f32 v42, v29;
	v43 =	vsub.f32 $1.500000000e+00, v43  }
0xb2: {  	vm3 =	vmand vm3, vm15;
	v61 =	vsub.f32 v44, v19;
	v45 =	vadd.f32 v46, v45  }
0xb3: {  	vm1 =	vmxor vm3, vm1;
	v51 =	vsub.f32 v44, v22;
	v37 =	vmul.f32 v43, v37  }
0xb4: {  	vm9 =	vgt.f32 v19, v44;
	vm10 =	vgt.f32 v18, v44;
	v56 =	vshra.s32 v45, $0x1  }
0xb5: {  	vm13 =	vgt.f32 v22, v44;
	v57 =	vmul.f32 v37, v28;
	v43 =	vsub.s32 $0x5F3759DF, v56  }
0xb6: {  	vm15 =	vgt.f32 v23, v44;
	v49 =	vadd.s32 $0xF, v27;
	v58 =	vmul.f32 v43, v45  }
0xb7: {  	vm0 =	vmxor vm0, vm1;
	vm11 =	vmxor vm9, vm10;
	v46 =	vmul.f32 $5.000000000e-01, v57  }
0xb8: {  	vm1 =	vmxor vm13, vm9;
	v29 =	vmul.f32 v3, v20;
	v60 =	vmul.f32 $5.000000000e-01, v58  }
0xb9: {  	vm3 =	vmxor vm15, vm13;
	v63 =	vmul.f32 v61, v32;
	v46 =	vmul.f32 v46, v37  }
0xba: {  	v20 =	vsel vm0, $0x0, v6;
	v9 =	vmul.f32 $2.000000030e-01, v29;
	v39 =	vmul.f32 v43, v60  }
0xbb: {  	v52 =	vmul.f32 v51, v31;
	v57 =	vsub.f32 v44, v23;
	v62 =	vsub.f32 $1.500000000e+00, v46;
	v46 =	vld.idx.msk [tilespmem:v48+s4+$0x0], $0xffff  }
0xbc: {  	v29 =	vmul.f32 v14, v13;
	v9 =	vmul.f32 v9, v16;
	v48 =	vld.idx.msk [tilespmem:v49+s4+$0x0], $0xffff;
	v39 =	vsub.f32 $1.500000000e+00, v39  }
0xbd: {  	vm0 =	vmxor vm10, vm15;
	v58 =	vmul.f32 v57, v30;
	v49 =	vmul.f32 v63, v36  }
0xbe: {  	v7 =	vadd.f32 v20, v7;
	v3 =	vmul.f32 v62, v37;
	v39 =	vmul.f32 v43, v39  }
0xbf: {  	v60 =	vsub.f32 v44, v18;
	v59 =	vmul.f32 v58, v41;
	v58 =	vadd.s32 $0x11, v27  }
0xc0: {  	v28 =	vmul.f32 v3, v28;
	v3 =	vadd.f32 v49, v17;
	v53 =	vmul.f32 v39, v45  }
0xc1: {  	v54 =	vsub.f32 v46, v34;
	v55 =	vsub.f32 v48, v35;
	vm15 =	vgt.f32 v22, v48  }
0xc2: {  	vm12 =	vlt.f32 v40, v3;
	v3 =	vmul.f32 v52, v38;
	v56 =	vmul.f32 $5.000000000e-01, v53  }
0xc3: {  	v43 =	vmul.f32 v54, v54;
	v47 =	vmul.f32 v55, v55;
	vm2 =	vmand vm11, vm12  }
0xc4: {  	v53 =	vsub.f32 v48, v19;
	v55 =	vadd.s32 $0x10, v27;
	vm11 =	vgt.f32 v19, v48  }
0xc5: {  	vm12 =	vgt.f32 v18, v48;
	v3 =	vadd.f32 v3, v25;
	v37 =	vmul.f32 v56, v39  }
0xc6: {  	vm13 =	vmxor vm11, vm12;
	v42 =	vadd.f32 v47, v43;
	v43 =	vmul.f32 v60, v26  }
0xc7: {  	v57 =	vmul.f32 v53, v32;
	vm14 =	vlt.f32 v40, v3;
	v3 =	vsub.f32 $1.500000000e+00, v37  }
0xc8: {  	v47 =	vshra.s32 v42, $0x1;
	v37 =	vadd.f32 v59, v21;
	vm1 =	vmand vm1, vm14  }
0xc9: {  	v49 =	vmul.f32 v43, v33;
	v60 =	vmul.f32 v57, v36;
	v61 =	vsub.s32 $0x5F3759DF, v47  }
0xca: {  	v59 =	vsub.f32 v48, v22;
	v3 =	vmul.f32 v3, v39;
	v62 =	vmul.f32 v61, v42  }
0xcb: {  	vm1 =	vmxor vm2, vm1;
	v47 =	vld.idx.msk [tilespmem:v58+s4+$0x0], $0xffff;
	vm8 =	vlt.f32 v40, v37;
	v37 =	vadd.f32 v49, v24  }
0xcc: {  	vm9 =	vmand vm3, vm8;
	v63 =	vmul.f32 v3, v45;
	v51 =	vmul.f32 $5.000000000e-01, v62  }
0xcd: {  	vm1 =	vmxor vm9, vm1;
	vm10 =	vlt.f32 v40, v37;
	vm9 =	vgt.f32 v23, v48  }
0xce: {  	vm0 =	vmand vm0, vm10;
	vm10 =	vmxor vm9, vm15;
	v52 =	vmul.f32 $5.000000000e-01, v63  }
0xcf: {  	v43 =	vmul.f32 v61, v51;
	vm0 =	vmxor vm0, vm1;
	vm1 =	vmxor vm15, vm11  }
0xd0: {  	v35 =	vsub.f32 v47, v35;
	v57 =	vsub.f32 v47, v19;
	v44 =	vmul.f32 v52, v3  }
0xd1: {  	vm15 =	vgt.f32 v18, v47;
	v27 =	vsel vm0, $0x0, v6;
	v54 =	vsub.f32 $1.500000000e+00, v43;
	v43 =	vld.idx.msk [tilespmem:v55+s4+$0x0], $0xffff  }
0xd2: {  	vm0 =	vmxor vm12, vm9;
	v32 =	vmul.f32 v57, v32;
	v56 =	vsub.f32 $1.500000000e+00, v44  }
0xd3: {  	vm9 =	vgt.f32 v22, v47;
	v37 =	vmul.f32 v61, v54;
	v61 =	vmul.f32 v59, v31  }
0xd4: {  	v52 =	vsub.f32 v48, v18;
	v32 =	vmul.f32 v32, v36;
	v3 =	vmul.f32 v56, v3  }
0xd5: {  	v7 =	vadd.f32 v27, v7;
	v62 =	vmul.f32 v37, v42;
	v63 =	vmul.f32 v61, v38  }
0xd6: {  	v34 =	vsub.f32 v43, v34;
	v40 =	vmul.f32 v3, v45;
	v3 =	vadd.f32 v60, v17  }
0xd7: {  	v35 =	vmul.f32 v35, v35;
	v39 =	vadd.f32 v63, v25;
	v60 =	vsub.f32 v47, v22  }
0xd8: {  	v51 =	vmul.f32 $5.000000000e-01, v62;
	v17 =	vadd.f32 v32, v17;
	v63 =	vsub.f32 v47, v23  }
0xd9: {  	v34 =	vmul.f32 v34, v34;
	vm14 =	vlt.f32 v46, v3;
	v3 =	vsub.f32 v48, v23  }
0xda: {  	v44 =	vmul.f32 v51, v37;
	vm8 =	vlt.f32 v46, v39;
	v39 =	vmul.f32 v52, v26  }
0xdb: {  	v31 =	vmul.f32 v60, v31;
	v40 =	vmul.f32 $2.000000030e-01, v40;
	vm2 =	vmand vm13, vm14  }
0xdc: {  	vm1 =	vmand vm1, vm8;
	v45 =	vadd.f32 v35, v34;
	v3 =	vmul.f32 v3, v30  }
0xdd: {  	vm14 =	vgt.f32 v19, v47;
	vm8 =	vlt.f32 v43, v17;
	v44 =	vsub.f32 $1.500000000e+00, v44  }
0xde: {  	v53 =	vmul.f32 v39, v33;
	vm1 =	vmxor vm2, vm1;
	v3 =	vmul.f32 v3, v41  }
0xdf: {  	v31 =	vmul.f32 v31, v38;
	v30 =	vmul.f32 v63, v30;
	v35 =	vshra.s32 v45, $0x1  }
0xe0: {  	v44 =	vmul.f32 v44, v37;
	v56 =	vsub.s32 $0x5F3759DF, v35;
	v3 =	vadd.f32 v3, v21  }
0xe1: {  	vm7 =	vmxor vm14, vm15;
	v12 =	vmul.f32 v40, v27;
	v35 =	vmul.f32 v56, v45  }
0xe2: {  	v54 =	vmul.f32 v44, v42;
	vm11 =	vlt.f32 v46, v3;
	v3 =	vadd.f32 v53, v24  }
0xe3: {  	v25 =	vadd.f32 v31, v25;
	v30 =	vmul.f32 v30, v41;
	v35 =	vmul.f32 $5.000000000e-01, v35  }
0xe4: {  	v55 =	vmul.f32 $5.000000000e-01, v54;
	vm12 =	vlt.f32 v46, v3;
	v46 =	vor.u32 s8, v5  }
0xe5: {  	vm2 =	vmand vm10, vm11;
	v58 =	vmul.f32 v56, v35;
	vm13 =	vlt.s32 v46, v1  }
0xe6: {  	vm10 =	vlt.f32 v43, v25;
	vm11 =	vgt.f32 v23, v47;
	v59 =	vsel vm13, v46, v1  }
0xe7: {  	v3 =	vmul.f32 v55, v44;
	vm1 =	vmxor vm2, vm1;
	v35 =	vadd.s32 v2, v59  }
0xe8: {  	vm2 =	vmand vm7, vm8;
	v55 =	vsub.f32 v47, v18;
	v48 =	vshll.u32 v35, $0x3  }
0xe9: {  	vm0 =	vmand vm0, vm12;
	v19 =	vsub.f32 $1.500000000e+00, v58;
	v61 =	vor.u32 $0x4, v48  }
0xea: {  	vm12 =	vmxor vm11, vm9;
	vm5 =	vlt.u32 v46, v0;
	v62 =	vor.u32 $0x1, v48  }
0xeb: {  	vm0 =	vmxor vm0, vm1;
	v34 =	vmul.f32 v56, v19;
	v1 =	vor.u32 $0x5, v48  }
0xec: {  	v3 =	vsub.f32 $1.500000000e+00, v3;
	v39 =	vmul.u32 $0x12, v35;
	v52 =	vor.u32 $0x7, v48  }
0xed: {  	v25 =	vmul.f32 v55, v26;
	v2 =	vmul.f32 v34, v45;
	v58 =	vor.u32 $0x3, v48;
	v19 =	vld.idx.msk [tilespmem:v48+s5+$0x0], $0xffff  }
0xee: {  	vm1 =	vmxor vm9, vm14;
	v37 =	vsel vm0, $0x0, v6;
	v54 =	vor.u32 $0x1, v39;
	v17 =	vld.idx.msk [tilespmem:v61+s5+$0x0], $0xffff  }
0xef: {  	vm1 =	vmand vm1, vm10;
	v59 =	vmul.f32 v25, v33;
	v53 =	vmul.f32 $5.000000000e-01, v2;
	v22 =	vld.idx.msk [tilespmem:v62+s5+$0x0], $0xffff  }
0xf0: {  	v56 =	vadd.f32 v30, v21;
	vm0 =	vmxor vm15, vm11;
	v3 =	vmul.f32 v3, v44;
	v18 =	vld.idx.msk [tilespmem:v1+s5+$0x0], $0xffff  }
0xf1: {  	vm1 =	vmxor vm2, vm1;
	v23 =	vadd.f32 v59, v24;
	v31 =	vmul.f32 v53, v34;
	v21 =	vld.idx.msk [tilespmem:v52+s5+$0x0], $0xffff  }
0xf2: {  	vm13 =	vlt.f32 v43, v56;
	v36 =	vor.u32 $0x2, v48;
	v44 =	vmul.f32 v3, v42;
	v24 =	vld.idx.msk [tilespmem:v58+s5+$0x0], $0xffff  }
0xf3: {  	vm2 =	vmand vm12, vm13;
	vm14 =	vlt.f32 v43, v23;
	v57 =	vsub.f32 $1.500000000e+00, v31;
	v49 =	vld.idx.msk [tilespmem:v54+s4+$0x0], $0xffff  }
0xf4: {  	vm1 =	vmxor vm2, vm1;
	vm0 =	vmand vm0, vm14;
	v1 =	vor.u32 $0x6, v48  }
0xf5: {  	vm0 =	vmxor vm0, vm1;
	v60 =	vmul.f32 v57, v34;
	v61 =	vadd.f32 v17, v19  }
0xf6: {  	v43 =	vsel vm0, $0x0, v6;
	v62 =	vadd.f32 v18, v22;
	v38 =	vsub.f32 v21, v22  }
0xf7: {  	v3 =	vld.idx.msk [tilespmem:v39+s4+$0x0], $0xffff;
	v63 =	vmul.f32 v60, v45;
	v53 =	vsub.f32 v22, v24;
	v56 =	vsub.f32 v24, v18  }
0xf8: {  	v58 =	vsub.f32 v18, v21;
	v59 =	vsub.f32 v49, v22;
	vm8 =	vgt.f32 v22, v49  }
0xf9: {  	v23 =	vld.idx.msk [tilespmem:v1+s5+$0x0], $0xffff;
	vm9 =	vgt.f32 v21, v49;
	v0 =	vsub.f32 v49, v18;
	v1 =	vsub.f32 v49, v21  }
0xfa: {  	vm12 =	vgt.f32 v24, v49;
	v41 =	vmul.f32 $5.000000000e-01, v61;
	v42 =	vmul.f32 $5.000000000e-01, v62  }
0xfb: {  	v2 =	vmul.f32 $5.000000000e-01, v63;
	vm15 =	veq.f32 v38, $0.0e+00;
	vm4 =	veq.f32 v53, $0.0e+00  }
0xfc: {  	v31 =	vsel vm15, $0x3F800000, v38;
	v54 =	vsel vm4, $0x3F800000, v53;
	v47 =	vsub.f32 v3, v41  }
0xfd: {  	v48 =	vsub.f32 v49, v42;
	v26 =	vmul.f32 v2, v60;
	(erf) = vrcp.f32 v31  }
0xfe: {  	vm14 =	vgt.f32 v18, v49;
	vm6 =	veq.f32 v56, $0.0e+00;
	(erf) = vrcp.f32 v54  }
0xff: {  	v51 =	vmul.f32 v47, v47;
	v32 =	vmul.f32 v48, v48;
	v52 =	vsub.f32 $1.500000000e+00, v26;
	v26 =	vld.idx.msk [tilespmem:v36+s5+$0x0], $0xffff  }
0x100: {  	vm7 =	veq.f32 v58, $0.0e+00;
	v61 =	vsub.f32 v49, v24;
	v31 =	vsel vm6, $0x3F800000, v56  }
0x101: {  	(erf) = vrcp.f32 v31;
	v47 =	vadd.f32 v32, v51;
	v51 =	vadd.s32 $0x2, v39  }
0x102: {  	vm10 =	vmxor vm8, vm9;
	v48 =	vmul.f32 v52, v60;
	v52 =	vadd.s32 $0x3, v39  }
0x103: {  	vm1 =	vmxor vm12, vm8;
	v32 =	vsub.f32 v23, v19;
	v55 =	vshra.s32 v47, $0x1  }
0x104: {  	vm3 =	vmxor vm14, vm12;
	v57 =	vsub.s32 $0x5F3759DF, v55;
	v33 =	vsub.f32 v19, v26  }
0x105: {  	v25 =	vsel vm7, $0x3F800000, v58;
	v35 =	vmul.f32 v59, v32;
	v30 =	vmul.f32 v57, v47  }
0x106: {  	vm0 =	vmxor vm9, vm14;
	(erf) = vrcp.f32 v25;
	v36 =	vpop (erf);
	v46 =	vmul.f32 v61, v33;
	v51 =	vld.idx.msk [tilespmem:v51+s4+$0x0], $0xffff  }
0x107: {  	v31 =	vsub.f32 v26, v17;
	v52 =	vld.idx.msk [tilespmem:v52+s4+$0x0], $0xffff;
	v30 =	vmul.f32 $5.000000000e-01, v30;
	v35 =	vmul.f32 v36, v35;
	v38 =	vpop (erf)  }
0x108: {  	v56 =	vadd.s32 $0x5, v39;
	v25 =	vsel vm5, $0x3F800000, v50;
	v63 =	vmul.f32 v46, v38  }
0x109: {  	v46 =	vmul.f32 v0, v31;
	v60 =	vmul.f32 v57, v30;
	v35 =	vadd.f32 v35, v19  }
0x10a: {  	v48 =	vmul.f32 v48, v45;
	v34 =	vpop (erf);
	v30 =	vsub.f32 v17, v23;
	v54 =	vadd.f32 v63, v26  }
0x10b: {  	v46 =	vmul.f32 v46, v34;
	v62 =	vsub.f32 $1.500000000e+00, v60;
	vm11 =	vlt.f32 v3, v35  }
0x10c: {  	v55 =	vmul.f32 v1, v30;
	v58 =	vsub.f32 v51, v41;
	v59 =	vsub.f32 v52, v42  }
0x10d: {  	v61 =	vsub.f32 v52, v22;
	vm8 =	vgt.f32 v22, v52;
	vm9 =	vgt.f32 v21, v52  }
0x10e: {  	vm12 =	vgt.f32 v24, v52;
	vm14 =	vgt.f32 v18, v52;
	v1 =	vadd.s32 $0xE, v39  }
0x10f: {  	vm2 =	vmand vm10, vm11;
	v46 =	vadd.f32 v46, v17;
	v50 =	vmul.f32 v57, v62;
	v35 =	vpop (erf)  }
0x110: {  	vm13 =	vlt.f32 v3, v54;
	vm10 =	vmxor vm8, vm9;
	v2 =	vmul.f32 v35, v55  }
0x111: {  	vm1 =	vmand vm1, vm13;
	vm15 =	vlt.f32 v3, v46;
	v53 =	vmul.f32 v50, v47  }
0x112: {  	vm1 =	vmxor vm2, vm1;
	vm3 =	vmand vm3, vm15;
	v57 =	vadd.f32 v2, v23  }
0x113: {  	v60 =	vmul.f32 v59, v59;
	vm1 =	vmxor vm3, vm1;
	v53 =	vmul.f32 $5.000000000e-01, v53  }
0x114: {  	vm3 =	vmxor vm14, vm12;
	vm7 =	vlt.f32 v3, v57;
	v3 =	vmul.f32 v58, v58  }
0x115: {  	v57 =	vsub.f32 v52, v18;
	v58 =	vadd.s32 $0x4, v39;
	v53 =	vmul.f32 v53, v50  }
0x116: {  	v56 =	vld.idx.msk [tilespmem:v56+s4+$0x0], $0xffff;
	vm0 =	vmand vm0, vm7;
	v49 =	vadd.f32 v60, v3;
	v3 =	vmul.f32 v61, v32  }
0x117: {  	vm0 =	vmxor vm0, vm1;
	v60 =	vsub.f32 v52, v24;
	v53 =	vsub.f32 $1.500000000e+00, v53  }
0x118: {  	vm1 =	vmxor vm12, vm8;
	v59 =	vshra.s32 v49, $0x1;
	v3 =	vmul.f32 v3, v36  }
0x119: {  	v45 =	vsel vm0, $0x0, v25;
	v50 =	vmul.f32 v53, v50;
	v53 =	vsub.s32 $0x5F3759DF, v59  }
0x11a: {  	v54 =	vmul.f32 v60, v33;
	v61 =	vmul.f32 v53, v49;
	v3 =	vadd.f32 v3, v19  }
0x11b: {  	vm0 =	vmxor vm9, vm14;
	v60 =	vsub.f32 v56, v22;
	v62 =	vmul.f32 v50, v47  }
0x11c: {  	v55 =	vmul.f32 $5.000000000e-01, v61;
	vm11 =	vlt.f32 v51, v3;
	v3 =	vmul.f32 v54, v38  }
0x11d: {  	vm9 =	vgt.f32 v22, v56;
	v61 =	vmul.f32 v60, v32;
	v63 =	vmul.f32 $5.000000000e-01, v62  }
0x11e: {  	v62 =	vmul.f32 v57, v31;
	vm2 =	vmand vm10, vm11;
	vm10 =	vgt.f32 v21, v56  }
0x11f: {  	v55 =	vmul.f32 v53, v55;
	v46 =	vmul.f32 v63, v50;
	v63 =	vsub.f32 v52, v21  }
0x120: {  	v3 =	vadd.f32 v3, v26;
	vm11 =	vmxor vm9, vm10;
	v54 =	vmul.f32 v62, v34  }
0x121: {  	v62 =	vsub.f32 v56, v24;
	v55 =	vsub.f32 $1.500000000e+00, v55;
	v57 =	vmul.f32 v63, v30  }
0x122: {  	v52 =	vld.idx.msk [tilespmem:v58+s4+$0x0], $0xffff;
	v58 =	vsub.f32 v56, v21;
	vm13 =	vlt.f32 v51, v3;
	v3 =	vadd.f32 v54, v17  }
0x123: {  	vm1 =	vmand vm1, vm13;
	v53 =	vmul.f32 v53, v55;
	v57 =	vmul.f32 v57, v35  }
0x124: {  	v46 =	vsub.f32 $1.500000000e+00, v46;
	v63 =	vsub.f32 v56, v18;
	vm13 =	vgt.f32 v24, v56  }
0x125: {  	vm15 =	vlt.f32 v51, v3;
	v59 =	vmul.f32 v53, v49;
	v3 =	vadd.f32 v57, v23  }
0x126: {  	vm1 =	vmxor vm2, vm1;
	v55 =	vmul.f32 v46, v50;
	v50 =	vmul.f32 v62, v33  }
0x127: {  	v60 =	vmul.f32 v63, v31;
	vm8 =	vlt.f32 v51, v3;
	v3 =	vmul.f32 $5.000000000e-01, v59  }
0x128: {  	v63 =	vsub.f32 v56, v42;
	vm7 =	vmand vm3, vm15;
	v62 =	vsub.f32 v52, v41  }
0x129: {  	vm15 =	vgt.f32 v18, v56;
	vm1 =	vmxor vm7, vm1;
	v3 =	vmul.f32 v3, v53  }
0x12a: {  	v57 =	vmul.f32 v63, v63;
	vm3 =	vmxor vm15, vm13;
	v51 =	vmul.f32 v61, v36  }
0x12b: {  	v47 =	vmul.f32 v55, v47;
	vm0 =	vmand vm0, vm8;
	v3 =	vsub.f32 $1.500000000e+00, v3  }
0x12c: {  	v61 =	vadd.s32 $0x7, v39;
	vm0 =	vmxor vm0, vm1;
	v51 =	vadd.f32 v51, v19  }
0x12d: {  	vm1 =	vmxor vm13, vm9;
	v54 =	vmul.f32 v3, v53;
	v3 =	vmul.f32 v50, v38  }
0x12e: {  	v46 =	vsel vm0, $0x0, v25;
	v50 =	vmul.f32 v60, v34;
	v53 =	vmul.f32 v62, v62  }
0x12f: {  	vm0 =	vmxor vm10, vm15;
	vm12 =	vlt.f32 v52, v51;
	v3 =	vadd.f32 v3, v26  }
0x130: {  	vm2 =	vmand vm11, vm12;
	v50 =	vadd.f32 v50, v17;
	v53 =	vadd.f32 v57, v53  }
0x131: {  	v57 =	vld.idx.msk [tilespmem:v61+s4+$0x0], $0xffff;
	v55 =	vmul.f32 v54, v49;
	vm14 =	vlt.f32 v52, v3;
	v3 =	vmul.f32 v58, v30  }
0x132: {  	v60 =	vadd.s32 $0x6, v39;
	vm8 =	vlt.f32 v52, v50;
	v59 =	vshra.s32 v53, $0x1  }
0x133: {  	v11 =	vmul.f32 $5.000000000e-01, v55;
	vm1 =	vmand vm1, vm14;
	v3 =	vmul.f32 v3, v35  }
0x134: {  	v50 =	vsub.s32 $0x5F3759DF, v59;
	vm3 =	vmand vm3, vm8;
	v59 =	vadd.s32 $0x9, v39  }
0x135: {  	vm1 =	vmxor vm2, vm1;
	v61 =	vmul.f32 v50, v53;
	v3 =	vadd.f32 v3, v23  }
0x136: {  	v11 =	vmul.f32 v11, v54;
	v62 =	vsub.f32 v57, v24;
	vm1 =	vmxor vm3, vm1  }
0x137: {  	v63 =	vsub.f32 v57, v18;
	vm9 =	vlt.f32 v52, v3;
	v3 =	vsub.f32 v57, v22  }
0x138: {  	v58 =	vld.idx.msk [tilespmem:v60+s4+$0x0], $0xffff;
	vm10 =	vgt.f32 v22, v57;
	vm11 =	vgt.f32 v21, v57;
	v60 =	vsub.f32 v57, v21  }
0x139: {  	vm13 =	vgt.f32 v24, v57;
	vm7 =	vgt.f32 v18, v57;
	v3 =	vmul.f32 v3, v32  }
0x13a: {  	v56 =	vmul.f32 $5.000000000e-01, v61;
	vm12 =	vmxor vm10, vm11;
	v52 =	vmul.f32 v62, v33  }
0x13b: {  	vm4 =	vmxor vm7, vm13;
	v51 =	vmul.f32 v63, v31;
	v3 =	vmul.f32 v3, v36  }
0x13c: {  	vm2 =	vmxor vm11, vm7;
	v10 =	vsub.f32 $1.500000000e+00, v11;
	v52 =	vmul.f32 v52, v38  }
0x13d: {  	v60 =	vmul.f32 v60, v30;
	v51 =	vmul.f32 v51, v34;
	v3 =	vadd.f32 v3, v19  }
0x13e: {  	v11 =	vmul.f32 $2.000000030e-01, v28;
	v56 =	vmul.f32 v50, v56;
	v59 =	vld.idx.msk [tilespmem:v59+s4+$0x0], $0xffff;
	v52 =	vadd.f32 v52, v26  }
0x13f: {  	v2 =	vmul.f32 v60, v35;
	vm14 =	vlt.f32 v58, v3;
	v3 =	vadd.f32 v51, v17  }
0x140: {  	v10 =	vmul.f32 v10, v54;
	vm0 =	vmand vm0, vm9;
	vm6 =	vlt.f32 v58, v52  }
0x141: {  	v52 =	vadd.s32 $0x8, v39;
	vm15 =	vlt.f32 v58, v3;
	v3 =	vadd.f32 v2, v23  }
0x142: {  	v57 =	vsub.f32 v57, v42;
	vm0 =	vmxor vm0, vm1;
	v56 =	vsub.f32 $1.500000000e+00, v56  }
0x143: {  	v10 =	vmul.f32 v10, v49;
	vm9 =	vlt.f32 v58, v3;
	v3 =	vsub.f32 v59, v22  }
0x144: {  	v57 =	vmul.f32 v57, v57;
	v62 =	vmul.f32 v50, v56;
	v56 =	vsub.f32 v58, v41  }
0x145: {  	vm1 =	vmxor vm13, vm10;
	v10 =	vmul.f32 $2.000000030e-01, v10;
	v3 =	vmul.f32 v3, v32  }
0x146: {  	v60 =	vsub.f32 v59, v24;
	vm13 =	vgt.f32 v21, v59;
	v56 =	vmul.f32 v56, v56;
	v61 =	vld.idx.msk [tilespmem:v52+s4+$0x0], $0xffff  }
0x147: {  	v10 =	vmul.f32 v10, v46;
	vm1 =	vmand vm1, vm6;
	v3 =	vmul.f32 v3, v36  }
0x148: {  	v51 =	vsel vm0, $0x0, v25;
	vm3 =	vmand vm12, vm14;
	vm12 =	vgt.f32 v22, v59  }
0x149: {  	vm1 =	vmxor vm3, vm1;
	v58 =	vadd.s32 $0xB, v39;
	v3 =	vadd.f32 v3, v19  }
0x14a: {  	vm14 =	vmxor vm12, vm13;
	v52 =	vmul.f32 v60, v33;
	v60 =	vsub.f32 v59, v18  }
0x14b: {  	vm8 =	vmand vm4, vm15;
	vm15 =	vlt.f32 v61, v3;
	v3 =	vsub.f32 v59, v21  }
0x14c: {  	vm10 =	vmxor vm8, vm1;
	vm8 =	vgt.f32 v24, v59;
	v63 =	vmul.f32 v60, v31  }
0x14d: {  	vm11 =	vmand vm2, vm9;
	v52 =	vmul.f32 v52, v38;
	v3 =	vmul.f32 v3, v30  }
0x14e: {  	vm0 =	vmxor vm11, vm10;
	vm10 =	vgt.f32 v18, v59;
	v63 =	vmul.f32 v63, v34;
	v60 =	vld.idx.msk [tilespmem:v58+s4+$0x0], $0xffff  }
0x14f: {  	v50 =	vsel vm0, $0x0, v25;
	v52 =	vadd.f32 v52, v26;
	v3 =	vmul.f32 v3, v35  }
0x150: {  	vm0 =	vmxor vm8, vm12;
	vm4 =	vmxor vm10, vm8;
	v63 =	vadd.f32 v63, v17  }
0x151: {  	vm1 =	vmxor vm13, vm10;
	v55 =	vsub.f32 v61, v41;
	v3 =	vadd.f32 v3, v23  }
0x152: {  	vm9 =	vlt.f32 v61, v52;
	v58 =	vadd.s32 $0xA, v39;
	vm11 =	vlt.f32 v61, v63  }
0x153: {  	v5 =	vsub.f32 v60, v24;
	vm13 =	vlt.f32 v61, v3;
	v3 =	vadd.s32 $0xD, v39  }
0x154: {  	vm0 =	vmand vm0, vm9;
	vm12 =	vmand vm4, vm11;
	v63 =	vsub.f32 v60, v22  }
0x155: {  	v59 =	vsub.f32 v59, v42;
	vm2 =	vmand vm14, vm15;
	v5 =	vmul.f32 v5, v33  }
0x156: {  	vm0 =	vmxor vm2, vm0;
	vm14 =	vgt.f32 v22, v60;
	v52 =	vmul.f32 v63, v32  }
0x157: {  	vm15 =	vgt.f32 v21, v60;
	v2 =	vsub.f32 v60, v18;
	v63 =	vld.idx.msk [tilespmem:v58+s4+$0x0], $0xffff;
	v5 =	vmul.f32 v5, v38  }
0x158: {  	vm8 =	vgt.f32 v24, v60;
	v58 =	vadd.f32 v57, v56;
	v52 =	vmul.f32 v52, v36;
	v3 =	vld.idx.msk [tilespmem:v3+s4+$0x0], $0xffff  }
0x159: {  	v2 =	vmul.f32 v2, v31;
	v56 =	vadd.f32 v5, v26;
	v5 =	vsub.f32 v60, v21  }
0x15a: {  	vm10 =	vgt.f32 v18, v60;
	v54 =	vsub.f32 v60, v42;
	v0 =	vadd.f32 v52, v19  }
0x15b: {  	v57 =	vmul.f32 v2, v34;
	v2 =	vmul.f32 v5, v30;
	v5 =	vadd.s32 $0xC, v39  }
0x15c: {  	vm0 =	vmxor vm12, vm0;
	vm6 =	vmxor vm14, vm15;
	vm7 =	vlt.f32 v63, v0  }
0x15d: {  	v0 =	vadd.f32 v57, v17;
	v2 =	vmul.f32 v2, v35;
	v57 =	vsub.f32 v3, v22  }
0x15e: {  	vm2 =	vmxor vm8, vm14;
	vm1 =	vmand vm1, vm13;
	vm9 =	vlt.f32 v63, v56  }
0x15f: {  	v56 =	vadd.s32 $0xF, v39;
	v2 =	vadd.f32 v2, v23;
	v57 =	vmul.f32 v57, v32  }
0x160: {  	vm3 =	vmxor vm10, vm8;
	v28 =	vmul.f32 v54, v54;
	vm0 =	vmxor vm1, vm0;
	v5 =	vld.idx.msk [tilespmem:v5+s4+$0x0], $0xffff  }
0x161: {  	vm12 =	vlt.f32 v63, v2;
	v2 =	vmul.f32 v57, v36;
	v57 =	vsub.f32 v3, v18  }
0x162: {  	vm1 =	vmxor vm15, vm10;
	vm11 =	vlt.f32 v63, v0;
	v0 =	vsub.f32 v3, v24  }
0x163: {  	v52 =	vsel vm0, $0x0, v25;
	v2 =	vadd.f32 v2, v19;
	v57 =	vmul.f32 v57, v31  }
0x164: {  	vm0 =	vmand vm6, vm7;
	vm2 =	vmand vm2, vm9;
	v56 =	vld.idx.msk [tilespmem:v56+s4+$0x0], $0xffff;
	v0 =	vmul.f32 v0, v33  }
0x165: {  	vm15 =	vlt.f32 v5, v2;
	v2 =	vmul.f32 v57, v34;
	v57 =	vsub.f32 v3, v21  }
0x166: {  	v40 =	vsub.f32 v63, v41;
	vm0 =	vmxor vm0, vm2;
	v0 =	vmul.f32 v0, v38  }
0x167: {  	vm3 =	vmand vm3, vm11;
	v2 =	vadd.f32 v2, v17;
	v57 =	vmul.f32 v57, v30  }
0x168: {  	v14 =	vmul.f32 v40, v40;
	vm0 =	vmxor vm3, vm0;
	v0 =	vadd.f32 v0, v26  }
0x169: {  	vm11 =	vlt.f32 v5, v2;
	v2 =	vmul.f32 v57, v35;
	v57 =	vld.idx.msk [tilespmem:v1+s4+$0x0], $0xffff;
	v1 =	vsub.f32 v56, v24  }
0x16a: {  	vm1 =	vmand vm1, vm12;
	vm10 =	vlt.f32 v5, v0;
	v0 =	vsub.f32 v56, v22  }
0x16b: {  	vm13 =	vgt.f32 v22, v3;
	vm2 =	vgt.f32 v21, v3;
	v1 =	vmul.f32 v1, v33  }
0x16c: {  	vm9 =	vgt.f32 v24, v3;
	vm12 =	vgt.f32 v18, v3;
	v0 =	vmul.f32 v0, v32  }
0x16d: {  	vm14 =	vmxor vm13, vm2;
	v2 =	vadd.f32 v2, v23;
	v1 =	vmul.f32 v1, v38  }
0x16e: {  	vm3 =	vmxor vm9, vm13;
	vm6 =	vmxor vm12, vm9;
	v0 =	vmul.f32 v0, v36  }
0x16f: {  	vm13 =	vlt.f32 v5, v2;
	v2 =	vshra.s32 v58, $0x1;
	v1 =	vadd.f32 v1, v26  }
0x170: {  	v63 =	vsub.f32 v56, v42;
	v0 =	vadd.f32 v0, v19;
	v2 =	vsub.s32 $0x5F3759DF, v2  }
0x171: {  	vm5 =	vmand vm6, vm11;
	vm11 =	vlt.f32 v57, v1;
	v1 =	vmul.f32 v2, v58  }
0x172: {  	vm4 =	vmand vm14, vm15;
	vm14 =	vlt.f32 v57, v0;
	v0 =	vmul.f32 v62, v53  }
0x173: {  	v14 =	vadd.f32 v28, v14;
	vm2 =	vmxor vm2, vm12;
	v1 =	vmul.f32 $5.000000000e-01, v1  }
0x174: {  	vm9 =	vgt.f32 v22, v56;
	v40 =	vmul.f32 v63, v63;
	v0 =	vmul.f32 $5.000000000e-01, v0  }
0x175: {  	v3 =	vsub.f32 v3, v42;
	vm3 =	vmand vm3, vm10;
	v1 =	vmul.f32 v2, v1  }
0x176: {  	vm10 =	vgt.f32 v21, v56;
	vm4 =	vmxor vm4, vm3;
	v0 =	vmul.f32 v0, v62  }
0x177: {  	vm3 =	vmxor vm1, vm0;
	vm12 =	vmxor vm9, vm10;
	v1 =	vsub.f32 $1.500000000e+00, v1  }
0x178: {  	v3 =	vmul.f32 v3, v3;
	vm15 =	vmxor vm5, vm4;
	v0 =	vsub.f32 $1.500000000e+00, v0  }
0x179: {  	v5 =	vsub.f32 v5, v41;
	vm2 =	vmand vm2, vm13;
	v1 =	vmul.f32 v2, v1  }
0x17a: {  	vm1 =	vmxor vm2, vm15;
	vm13 =	vmand vm12, vm14;
	v0 =	vmul.f32 v0, v62  }
0x17b: {  	v62 =	vmul.f32 v55, v55;
	v2 =	vadd.f32 v29, v8;
	v61 =	vmul.f32 v1, v58  }
0x17c: {  	vm14 =	vgt.f32 v24, v56;
	v8 =	vmul.f32 v0, v53;
	v29 =	vmul.f32 v59, v59  }
0x17d: {  	v2 =	vadd.f32 v9, v2;
	v9 =	vmul.f32 v11, v20;
	v11 =	vmul.f32 $5.000000000e-01, v61  }
0x17e: {  	v5 =	vmul.f32 v5, v5;
	vm15 =	vgt.f32 v18, v56;
	v8 =	vmul.f32 $5.000000000e-01, v8  }
0x17f: {  	vm5 =	vmxor vm14, vm9;
	v13 =	vadd.f32 v29, v62;
	v11 =	vmul.f32 v11, v1  }
0x180: {  	vm2 =	vmxor vm15, vm14;
	v3 =	vadd.f32 v3, v5;
	v8 =	vmul.f32 v8, v0  }
0x181: {  	v5 =	vshra.s32 v14, $0x1;
	v49 =	vshra.s32 v13, $0x1;
	v11 =	vsub.f32 $1.500000000e+00, v11  }
0x182: {  	v55 =	vmul.f32 $2.000000030e-01, v44;
	v15 =	vsub.s32 $0x5F3759DF, v49;
	v8 =	vsub.f32 $1.500000000e+00, v8  }
0x183: {  	v5 =	vsub.s32 $0x5F3759DF, v5;
	v1 =	vmul.f32 v11, v1;
	v11 =	vmul.f32 v15, v13  }
0x184: {  	v16 =	vmul.f32 v55, v37;
	v59 =	vshra.s32 v3, $0x1;
	v0 =	vmul.f32 v8, v0  }
0x185: {  	v28 =	vsub.s32 $0x5F3759DF, v59;
	v8 =	vmul.f32 $5.000000000e-01, v11;
	v11 =	vmul.f32 v1, v58  }
0x186: {  	v60 =	vmul.f32 v28, v3;
	v62 =	vmul.f32 $2.000000030e-01, v47;
	v2 =	vadd.f32 v9, v2  }
0x187: {  	vm0 =	vmxor vm10, vm15;
	v9 =	vmul.f32 $5.000000000e-01, v11;
	v11 =	vmul.f32 v5, v14  }
0x188: {  	v61 =	vmul.f32 $2.000000030e-01, v48;
	v2 =	vadd.f32 v12, v2;
	v8 =	vmul.f32 v15, v8  }
0x189: {  	vm5 =	vmand vm5, vm11;
	v9 =	vmul.f32 v9, v1;
	v11 =	vmul.f32 $5.000000000e-01, v11  }
0x18a: {  	v20 =	vmul.f32 v62, v45;
	v12 =	vmul.f32 v61, v43;
	v2 =	vadd.f32 v16, v2  }
0x18b: {  	v8 =	vsub.f32 $1.500000000e+00, v8;
	v9 =	vsub.f32 $1.500000000e+00, v9;
	v11 =	vmul.f32 v5, v11  }
0x18c: {  	v49 =	vadd.s32 $0x11, v39;
	v0 =	vmul.f32 v0, v53;
	v2 =	vadd.f32 v12, v2  }
0x18d: {  	v8 =	vmul.f32 v15, v8;
	v1 =	vmul.f32 v9, v1;
	v9 =	vsub.f32 $1.500000000e+00, v11  }
0x18e: {  	v0 =	vmul.f32 $2.000000030e-01, v0;
	v2 =	vadd.f32 v20, v2;
	v15 =	vmul.f32 $5.000000000e-01, v60  }
0x18f: {  	v11 =	vmul.f32 v8, v13;
	v5 =	vmul.f32 v5, v9;
	v9 =	vsub.f32 v57, v41  }
0x190: {  	v44 =	vadd.f32 v37, v7;
	v0 =	vmul.f32 v0, v51;
	v15 =	vmul.f32 v28, v15  }
0x191: {  	v2 =	vadd.f32 v10, v2;
	v11 =	vmul.f32 $5.000000000e-01, v11;
	v9 =	vmul.f32 v9, v9  }
0x192: {  	v15 =	vsub.f32 $1.500000000e+00, v15;
	v1 =	vmul.f32 v1, v58;
	v47 =	vmul.f32 v5, v14  }
0x193: {  	v11 =	vmul.f32 v11, v8;
	v7 =	vadd.f32 v40, v9;
	v9 =	vadd.s32 $0x10, v39  }
0x194: {  	vm4 =	vmxor vm13, vm5;
	v15 =	vmul.f32 v28, v15;
	v28 =	vld.idx.msk [tilespmem:v49+s4+$0x0], $0xffff;
	v1 =	vmul.f32 $2.000000030e-01, v1  }
0x195: {  	v0 =	vadd.f32 v0, v2;
	v48 =	vmul.f32 $5.000000000e-01, v47;
	v11 =	vsub.f32 $1.500000000e+00, v11  }
0x196: {  	v49 =	vsel vm3, $0x0, v25;
	v54 =	vmul.f32 v15, v3;
	v1 =	vmul.f32 v1, v50  }
0x197: {  	v47 =	vsub.f32 v56, v21;
	v11 =	vmul.f32 v11, v8;
	v8 =	vshra.s32 v7, $0x1  }
0x198: {  	v53 =	vmul.f32 v48, v5;
	v16 =	vmul.f32 $5.000000000e-01, v54;
	v55 =	vsub.s32 $0x5F3759DF, v8;
	v8 =	vld.idx.msk [tilespmem:v9+s4+$0x0], $0xffff  }
0x199: {  	v0 =	vadd.f32 v1, v0;
	v37 =	vsub.f32 v28, v42;
	v58 =	vmul.f32 v55, v7  }
0x19a: {  	v54 =	vsub.f32 v28, v22;
	vm10 =	vgt.f32 v22, v28;
	vm12 =	vgt.f32 v21, v28  }
0x19b: {  	vm15 =	vgt.f32 v24, v28;
	v59 =	vmul.f32 v11, v13;
	v60 =	vmul.f32 $5.000000000e-01, v58  }
0x19c: {  	v12 =	vsub.f32 $1.500000000e+00, v53;
	v16 =	vmul.f32 v16, v15;
	v9 =	vadd.f32 v43, v44  }
0x19d: {  	v10 =	vmul.f32 $5.000000000e-01, v59;
	v62 =	vmul.f32 v55, v60;
	v63 =	vsub.f32 v8, v41  }
0x19e: {  	v27 =	vmul.f32 v37, v37;
	v5 =	vmul.f32 v12, v5;
	v61 =	vsub.f32 $1.500000000e+00, v16  }
0x19f: {  	v10 =	vmul.f32 v10, v11;
	v16 =	vsub.f32 $1.500000000e+00, v62;
	v20 =	vmul.f32 v63, v63  }
0x1a0: {  	v9 =	vadd.f32 v45, v9;
	v45 =	vsub.f32 v56, v18;
	v12 =	vmul.f32 v61, v15  }
0x1a1: {  	v10 =	vsub.f32 $1.500000000e+00, v10;
	v40 =	vmul.f32 v55, v16;
	v20 =	vadd.f32 v27, v20  }
0x1a2: {  	v39 =	vmul.f32 v5, v14;
	v9 =	vadd.f32 v46, v9;
	v46 =	vmul.f32 v45, v31  }
0x1a3: {  	v10 =	vmul.f32 v10, v11;
	v11 =	vmul.f32 v40, v7;
	v27 =	vshra.s32 v20, $0x1  }
0x1a4: {  	v41 =	vmul.f32 v12, v3;
	v15 =	vmul.f32 $5.000000000e-01, v39;
	v27 =	vsub.s32 $0x5F3759DF, v27  }
0x1a5: {  	vm13 =	vmxor vm10, vm12;
	v42 =	vmul.f32 $5.000000000e-01, v11;
	v11 =	vmul.f32 v27, v20  }
0x1a6: {  	v9 =	vadd.f32 v51, v9;
	v48 =	vmul.f32 v46, v34;
	v16 =	vmul.f32 $5.000000000e-01, v41  }
0x1a7: {  	vm3 =	vmxor vm15, vm10;
	v15 =	vmul.f32 v15, v5;
	v11 =	vmul.f32 $5.000000000e-01, v11  }
0x1a8: {  	v55 =	vsub.f32 v28, v24;
	v9 =	vadd.f32 v50, v9;
	v16 =	vmul.f32 v16, v12  }
0x1a9: {  	v10 =	vmul.f32 v10, v13;
	v43 =	vsub.f32 $1.500000000e+00, v15;
	v11 =	vmul.f32 v27, v11  }
0x1aa: {  	v2 =	vadd.f32 v48, v17;
	v56 =	vmul.f32 v55, v33;
	v44 =	vsub.f32 $1.500000000e+00, v16  }
0x1ab: {  	v5 =	vmul.f32 v43, v5;
	v10 =	vmul.f32 $2.000000030e-01, v10;
	v11 =	vsub.f32 $1.500000000e+00, v11  }
0x1ac: {  	vm8 =	vlt.f32 v57, v2;
	v1 =	vmul.f32 v42, v40;
	v12 =	vmul.f32 v44, v12  }
0x1ad: {  	v9 =	vadd.f32 v52, v9;
	v5 =	vmul.f32 v5, v14;
	v11 =	vmul.f32 v27, v11  }
0x1ae: {  	v10 =	vmul.f32 v10, v52;
	v1 =	vsub.f32 $1.500000000e+00, v1;
	v3 =	vmul.f32 v12, v3  }
0x1af: {  	vm2 =	vmand vm2, vm8;
	v12 =	vmul.f32 v47, v30;
	v53 =	vmul.f32 v11, v20  }
0x1b0: {  	v0 =	vadd.f32 v10, v0;
	v10 =	vmul.f32 v54, v32;
	v1 =	vmul.f32 v1, v40  }
0x1b1: {  	vm11 =	vmxor vm2, vm4;
	v12 =	vmul.f32 v12, v35;
	v14 =	vmul.f32 $5.000000000e-01, v53  }
0x1b2: {  	v9 =	vadd.f32 v49, v9;
	v10 =	vmul.f32 v10, v36;
	v50 =	vmul.f32 v1, v7  }
0x1b3: {  	v5 =	vmul.f32 $2.000000030e-01, v5;
	v12 =	vadd.f32 v12, v23;
	v14 =	vmul.f32 v14, v11  }
0x1b4: {  	v3 =	vmul.f32 $2.000000030e-01, v3;
	v10 =	vadd.f32 v10, v19;
	v51 =	vmul.f32 $5.000000000e-01, v50  }
0x1b5: {  	vm9 =	vlt.f32 v57, v12;
	v57 =	vmul.f32 v5, v49;
	v5 =	vsub.f32 $1.500000000e+00, v14  }
0x1b6: {  	v12 =	vmul.f32 v56, v38;
	vm14 =	vlt.f32 v8, v10;
	v2 =	vmul.f32 v51, v1  }
0x1b7: {  	v10 =	vsub.f32 v28, v21;
	v58 =	vmul.f32 v5, v11;
	v11 =	vsub.f32 v28, v18  }
0x1b8: {  	vm0 =	vmand vm0, vm9;
	vm2 =	vmand vm13, vm14;
	v2 =	vsub.f32 $1.500000000e+00, v2  }
0x1b9: {  	vm9 =	vgt.f32 v18, v28;
	v59 =	vmul.f32 v58, v20;
	v11 =	vmul.f32 v11, v31  }
0x1ba: {  	v12 =	vadd.f32 v12, v26;
	v10 =	vmul.f32 v10, v30;
	v1 =	vmul.f32 v2, v1  }
0x1bb: {  	v0 =	vadd.f32 v57, v0;
	v14 =	vmul.f32 $5.000000000e-01, v59;
	v11 =	vmul.f32 v11, v34  }
0x1bc: {  	vm0 =	vmxor vm0, vm11;
	vm8 =	vlt.f32 v8, v12;
	v10 =	vmul.f32 v10, v35  }
0x1bd: {  	v1 =	vmul.f32 v1, v7;
	v60 =	vmul.f32 v14, v58;
	v7 =	vadd.f32 v11, v17  }
0x1be: {  	vm10 =	vmxor vm9, vm15;
	vm3 =	vmand vm3, vm8;
	v10 =	vadd.f32 v10, v23  }
0x1bf: {  	v5 =	vsel vm1, $0x0, v25;
	v11 =	vsub.f32 $1.500000000e+00, v60;
	vm11 =	vlt.f32 v8, v7;
	v7 =	vld [tilespmem:s6+$0xFFFFFFF0]  }
0x1c0: {  	vm2 =	vmxor vm2, vm3;
	v1 =	vmul.f32 $2.000000030e-01, v1;
	v3 =	vmul.f32 v3, v5  }
0x1c1: {  	vm1 =	vmxor vm12, vm9;
	vm12 =	vlt.f32 v8, v10;
	v2 =	vmul.f32 v11, v58  }
0x1c2: {  	vm1 =	vmand vm1, vm12;
	v5 =	vadd.f32 v5, v9;
	v0 =	vadd.f32 v3, v0;
	v3 =	vld [tilespmem:s6+$0x0]  }
0x1c3: {  	s7 =	sadd.s32 $0x2, s7;
	v8 =	vsel vm0, $0x0, v25;
	vm3 =	vmand vm10, vm11;
	v2 =	vmul.f32 v2, v20  }
0x1c4: {  	p0 =	slt.u32 s7, $0x6;
	v1 =	vmul.f32 v1, v8;
	vm13 =	vmxor vm3, vm2;
	vm14 =	vgt.f32 v7, $0.0e+00  }
.Ltmp0:
0x1c5: {  	vm0 =	vmxor vm1, vm13;
	v2 =	vmul.f32 $2.000000030e-01, v2;
	v6 =	vnsel vm14, $0x0, v6;
	(pc) =	sbr.rel @p0 .LBB2_1-.Ltmp0, $4  }
0x1c6: {  	v7 =	vsel vm0, $0x0, v25;
	v62 =	vadd.f32 v6, v4;
	v4 =	vadd.f32 v8, v5  }
0x1c7: {  	vm15 =	vgt.f32 v3, $0.0e+00;
	v0 =	vadd.f32 v1, v0;
	v61 =	vmul.f32 v2, v7  }
0x1c8: {  	v63 =	vnsel vm15, $0x0, v25;
	v7 =	vadd.f32 v7, v4  }
0x1c9: {  	s8 =	sadd.s32 $0x20, s8;
	s6 =	sadd.s32 $0x20, s6;
	v4 =	vadd.f32 v63, v62;
	v9 =	vadd.f32 v61, v0  }
0x1ca: {  	s4 =	smul.u32 $0xC0, s3  }
0x1cb: {  	[tilespmem:$0xD90] =	vst v7  }
0x1cc: {  	[tilespmem:$0xD80] =	vst v9;
	s4 =	sshrl.u32 s4, $0x2  }
0x1cd: {  	s5 =	simm.s32 $0xD80;
	[tilespmem:$0xDA0] =	vst v4;
	s4 =	sadd.s32 s4, s2  }
0x1ce: {  	[spmem:s4] =	stream.linear.scatter [tilespmem:s5], [sflag:$0x4], $0x30, $0x38;
	[tilespmem:$0x11B0] =	vst v63  }
0x1cf: {  	s4 =	simm.s32 $0x4  }
0x1d0: {  	_ =	swait.ge [sflag:s4], $0x30  }
0x1d1: {  	[sflag:s4] =	ssyncset.done $0x0  }
0x1d2: {  	[sflag:s4] =	ssyncadd.s32 $0xFFFFFFD0  }
0x1d3: {  	p0 =	sne.s32 s3, $0x0;
	[bflag:$0x0] =	sbarrier.arrive $0xFFFF  }
0x1d4: {  	_ =	sfence.sel @p0 $0x180000  }
0x1d5: {  	[bflag:$0x0] =	sbarrier.arrive @p0 $0xFFFF  }
0x1d6: {  	_ =	strace @p0 $0x90000047  }
0x1d7: {  	[bflag:$0x2] =	sbarrier.arrive @p0 $0xFFFF  }
0x1d8: {  	_ =	shalt @p0  }
.LBB2_3:
0x1d9: {  	s3 =	simm.s32 $0xE30  }
0x1da: {  	[tilespmem:s3], [sflag:$0x4] =	stream.linear.gather [spmem:s2], $0x300, $0x38;
	[tilespmem:$0x11B0] =	vst v63  }
0x1db: {  	_ =	swait.ge [sflag:s4], $0x300  }
0x1dc: {  	[sflag:s4] =	ssyncset.done $0x0  }
0x1dd: {  	[sflag:s4] =	ssyncadd.s32 $0xFFFFFD00  }
0x1de: {  	v0 =	vld [tilespmem:$0xE30]  }
0x1df: {  	v1 =	vld [tilespmem:$0xE40]  }
0x1e0: {  	v2 =	vld [tilespmem:$0xE50]  }
0x1e1: {  	v3 =	vld [tilespmem:$0xE60]  }
0x1e2: {  	v4 =	vld [tilespmem:$0xE70]  }
0x1e3: {  	v5 =	vld [tilespmem:$0xE80]  }
0x1e4: {  	v6 =	vld [tilespmem:$0xE90]  }
0x1e5: {  	v7 =	vld [tilespmem:$0xEA0]  }
0x1e6: {  	v8 =	vld [tilespmem:$0xEB0]  }
0x1e7: {  	v9 =	vld [tilespmem:$0xEC0]  }
0x1e8: {  	v10 =	vld [tilespmem:$0xED0]  }
0x1e9: {  	v11 =	vld [tilespmem:$0xEE0]  }
0x1ea: {  	v12 =	vld [tilespmem:$0xEF0]  }
0x1eb: {  	v13 =	vld [tilespmem:$0xF00]  }
0x1ec: {  	v14 =	vld [tilespmem:$0xF10]  }
0x1ed: {  	v15 =	vld [tilespmem:$0xF20]  }
0x1ee: {  	v16 =	vld [tilespmem:$0xF30]  }
0x1ef: {  	v17 =	vld [tilespmem:$0xF40]  }
0x1f0: {  	v18 =	vld [tilespmem:$0xF50]  }
0x1f1: {  	v19 =	vld [tilespmem:$0xF60]  }
0x1f2: {  	v20 =	vld [tilespmem:$0xF70];
	v0 =	vadd.f32 $0.0e+00, v0  }
0x1f3: {  	v21 =	vld [tilespmem:$0xF80];
	v1 =	vadd.f32 $0.0e+00, v1  }
0x1f4: {  	v30 =	vld [tilespmem:$0xF90];
	v0 =	vadd.f32 v3, v0  }
0x1f5: {  	v31 =	vld [tilespmem:$0xFA0];
	v2 =	vadd.f32 $0.0e+00, v2;
	v1 =	vadd.f32 v4, v1  }
0x1f6: {  	v32 =	vld [tilespmem:$0xFB0];
	v0 =	vadd.f32 v6, v0  }
0x1f7: {  	v33 =	vld [tilespmem:$0xFC0];
	v2 =	vadd.f32 v5, v2;
	v1 =	vadd.f32 v7, v1  }
0x1f8: {  	v34 =	vld [tilespmem:$0xFD0];
	v0 =	vadd.f32 v9, v0  }
0x1f9: {  	v35 =	vld [tilespmem:$0xFE0];
	v2 =	vadd.f32 v8, v2;
	v1 =	vadd.f32 v10, v1  }
0x1fa: {  	v36 =	vld [tilespmem:$0xFF0];
	v0 =	vadd.f32 v12, v0  }
0x1fb: {  	v37 =	vld [tilespmem:$0x1000];
	v2 =	vadd.f32 v11, v2;
	v1 =	vadd.f32 v13, v1  }
0x1fc: {  	v38 =	vld [tilespmem:$0x1010];
	v0 =	vadd.f32 v15, v0  }
0x1fd: {  	v39 =	vld [tilespmem:$0x1020];
	v2 =	vadd.f32 v14, v2;
	v1 =	vadd.f32 v16, v1  }
0x1fe: {  	v40 =	vld [tilespmem:$0x1030];
	v0 =	vadd.f32 v18, v0  }
0x1ff: {  	v41 =	vld [tilespmem:$0x1040];
	v2 =	vadd.f32 v17, v2;
	v1 =	vadd.f32 v19, v1  }
0x200: {  	v42 =	vld [tilespmem:$0x1050];
	v0 =	vadd.f32 v21, v0  }
0x201: {  	v43 =	vld [tilespmem:$0x1060];
	v2 =	vadd.f32 v20, v2;
	v1 =	vadd.f32 v30, v1  }
0x202: {  	v44 =	vld [tilespmem:$0x1070];
	v0 =	vadd.f32 v32, v0  }
0x203: {  	v45 =	vld [tilespmem:$0x1080];
	v2 =	vadd.f32 v31, v2;
	v1 =	vadd.f32 v33, v1  }
0x204: {  	v46 =	vld [tilespmem:$0x1090];
	v0 =	vadd.f32 v35, v0  }
0x205: {  	v47 =	vld [tilespmem:$0x10A0];
	v2 =	vadd.f32 v34, v2;
	v1 =	vadd.f32 v36, v1  }
0x206: {  	v48 =	vld [tilespmem:$0x10B0];
	v0 =	vadd.f32 v38, v0  }
0x207: {  	v49 =	vld [tilespmem:$0x10C0];
	v2 =	vadd.f32 v37, v2;
	v1 =	vadd.f32 v39, v1  }
0x208: {  	v50 =	vld [tilespmem:$0x10D0];
	v0 =	vadd.f32 v41, v0  }
0x209: {  	v51 =	vld [tilespmem:$0x10E0];
	v2 =	vadd.f32 v40, v2;
	v1 =	vadd.f32 v42, v1  }
0x20a: {  	v52 =	vld [tilespmem:$0x10F0];
	v0 =	vadd.f32 v44, v0  }
0x20b: {  	v53 =	vld [tilespmem:$0x1100];
	v2 =	vadd.f32 v43, v2;
	v1 =	vadd.f32 v45, v1  }
0x20c: {  	v54 =	vld [tilespmem:$0x1110];
	v0 =	vadd.f32 v47, v0  }
0x20d: {  	v2 =	vadd.f32 v46, v2;
	v1 =	vadd.f32 v48, v1  }
0x20e: {  	v55 =	vld [tilespmem:$0x1120];
	v0 =	vadd.f32 v50, v0  }
0x20f: {  	v2 =	vadd.f32 v49, v2;
	v1 =	vadd.f32 v51, v1  }
0x210: {  	v0 =	vadd.f32 v53, v0  }
0x211: {  	v2 =	vadd.f32 v52, v2;
	v1 =	vadd.f32 v54, v1  }
0x212: {  	(xrf2) =	vadd.scan.msk.f32 $0xffff, v0  }
0x213: {  	v56 =	vadd.f32 v55, v2;
	(xrf2) =	vadd.scan.msk.f32 $0xffff, v1;
	_ =	sdelay $0x1  }
0x214: {  	(xrf2) =	vadd.scan.msk.f32 $0xffff, v56;
	_ =	sdelay $0x6  }
0x215: {  	v57, _, _ =	vpop (xrf2)  }
0x216: {  	v1, _, _ =	vpop (xrf2)  }
0x217: {  	v58 =	vmax.f32 v1, $1.000000000e+00  }
0x218: {  	v59, _, _ =	vpop (xrf2);
	(erf) = vrcp.f32 v58  }
0x219: {  	v60 =	vadd.f32 $9.999999970e-07, v59;
	_ =	sdelay $0x1  }
0x21a: {  	(erf) = vrcp.f32 v60;
	_ =	sdelay $0x5  }
0x21b: {  	v61 =	vpop (erf)  }
0x21c: {  	v0 =	vmul.f32 v61, v57  }
0x21d: {  	v62 =	vlaneseq.u32;
	vm0 =	vgt.f32 v1, $0.0e+00  }
0x21e: {  	v1 =	vmul.u32 $0xFFFFFFFF, v62;
	v63 =	vpop (erf);
	v0 =	vnsel vm0, $0x0, v0  }
0x21f: {  	v0 =	vmul.f32 v0, v63  }
0x220: {  	v1 =	vadd.s32 $0xF, v1  }
0x221: {  	v0 =	vperm.xlane v0, v1;
	_ =	sdelay $0x1  }
0x222: {  	s30 =	simm.s32 $0x0;
	s31 =	simm.s32 $0x1130;
	[tilespmem:$0x1130] =	vst v0  }
0x223: {  	[hbm4b:s1+s30] =	stream.linear.scatter [tilespmem:s31], [sflag:$0x4], $0x1, $0x38;
	[tilespmem:$0x11B0] =	vst v63  }
0x224: {  	_ =	swait.ge [sflag:s4], $0x1  }
0x225: {  	[sflag:s4] =	ssyncset.done $0x0  }
0x226: {  	[sflag:s4] =	ssyncadd.s32 $0xFFFFFFFF  }
0x227: {  	_ =	sfence.sel $0x180000  }
0x228: {  	[bflag:$0x0] =	sbarrier.arrive $0xFFFF  }
0x229: {  	_ =	strace $0x90000047  }
0x22a: {  	s0 =	sadd.s32 $0x100000, s0;
	[bflag:$0x2] =	sbarrier.arrive $0xFFFF  }
0x22b: {  	[sflag:s0] =	ssyncadd.tile.s32 $0x1;
	_ =	shalt  }
.Lfunc_end2:
_tile_overlayer_lowered:
.L_overlay_start_2:
0x22c: {  	(tag) =	ssettag $0x2  }
0x22d: {  	s0 =	rddreg [dreg:$0x0];
	s2 =	stileid.u32  }
0x22e: {  	s1 =	rddreg [dreg:$0x1];
	p0 =	sne.s32 s2, $0x0  }
0x22f: {  	s3 =	rddreg [dreg:$0x2];
	[bflag:$0x3] =	sbarrier.arrive $0xFFFF;
	s2 =	simm.s32 @!p0 $0x1C04  }
0x230: {  	[timem:s3], [sflag:s2] =	dma.local @!p0 [hbm:s0], s1  }
0x231: {  	s0 =	simm.s32 @!p0 $0x4  }
0x232: {  	_ =	swait.ge @!p0 [sflag:s0], s1  }
0x233: {  	s1 =	ssub.s32 @!p0 $0x0, s1;
	[sflag:s0] =	ssyncset.done @!p0 $0x0  }
0x234: {  	[sflag:s0] =	ssyncadd.s32 @!p0 s1  }
0x235: {  	[bflag:$0x3] =	sbarrier.arrive $0xFFFF  }
0x236: {  	_ =	shalt  }

</sc_bundles>
